<compile_context>
chip_gen: v7x
topology: tpu7x:2x2x1
jax: 0.10.2.dev20260603
libtpu: 0.0.44.dev20260713+nightly
codegen_flags: <defaults>
</compile_context>

<pallas_src>
import functools

import jax
import jax.numpy as jnp
from jax import lax
from jax.experimental import pallas as pl
from jax.experimental.pallas import tpu as pltpu
from jax.experimental.pallas import tpu_sc as plsc

_NUM_CORES = 2
_NUM_SUBCORES = 16
_LANES = 16
_NUM_WORKERS = _NUM_CORES * _NUM_SUBCORES
_UNROLL = 8


def _histogram_sc(chars, vocab):
    bsz, seq = chars.shape
    rows_per = bsz // _NUM_WORKERS
    mesh = plsc.VectorSubcoreMesh(core_axis_name="c", subcore_axis_name="s")

    @functools.partial(
        pl.kernel,
        mesh=mesh,
        out_type=jax.ShapeDtypeStruct((bsz, vocab), jnp.float32),
        compiler_params=pltpu.CompilerParams(needs_layout_passes=False),
        scratch_types=[
            pltpu.VMEM((rows_per, seq), jnp.int32),
            pltpu.VMEM((vocab,), jnp.float32),
            pltpu.VMEM((rows_per, vocab), jnp.float32),
        ],
    )
    def hist_kernel(chars_hbm, out_hbm, chars_v, hist_v, counts_v):
        wid = lax.axis_index("s") * _NUM_CORES + lax.axis_index("c")
        base = wid * rows_per
        pltpu.sync_copy(chars_hbm.at[pl.ds(base, rows_per)], chars_v)

        ones = jnp.ones((_LANES,), jnp.float32)
        zeros = jnp.zeros((_LANES,), jnp.float32)
        chunks = seq // _LANES

        def zero_body(i, _):
            hist_v[pl.ds(i * _LANES, _LANES)] = zeros
            return 0
        lax.fori_loop(0, vocab // _LANES, zero_body, 0)

        for r in range(rows_per):
            def scatter_body(k, _, r=r):
                for j in range(_UNROLL):
                    col = pl.ds((k * _UNROLL + j) * _LANES, _LANES)
                    plsc.addupdate_scatter(hist_v, [chars_v[r, col]], ones)
                return 0
            lax.fori_loop(0, chunks // _UNROLL, scatter_body, 0)

            def drain_body(i, _, r=r):
                col = pl.ds(i * _LANES, _LANES)
                counts_v[r, col] = hist_v[col]
                hist_v[col] = zeros
                return 0
            lax.fori_loop(0, vocab // _LANES, drain_body, 0)

        pltpu.sync_copy(counts_v, out_hbm.at[pl.ds(base, rows_per)])

    return hist_kernel(chars)


def _dense_tc(counts, char_embed, pos_embed, w_t, bias_row, seq):
    bsz, vocab = counts.shape
    dim = char_embed.shape[1]
    bulk = w_t.shape[1]
    inv_len = 1.0 / seq

    def dense_kernel(counts_ref, ce_ref, pos_ref, wt_ref, b_ref, out_ref):
        pooled = jnp.dot(counts_ref[...], ce_ref[...],
                         preferred_element_type=jnp.float32)
        pos_sum = jnp.sum(pos_ref[...], axis=0, keepdims=True)
        x = (pooled + pos_sum) * inv_len
        out_ref[...] = jnp.dot(x, wt_ref[...],
                               preferred_element_type=jnp.float32) + b_ref[...]

    return pl.pallas_call(
        dense_kernel,
        grid=(1,),
        in_specs=[
            pl.BlockSpec((bsz, vocab), lambda i: (0, 0)),
            pl.BlockSpec((vocab, dim), lambda i: (0, 0)),
            pl.BlockSpec((seq, dim), lambda i: (0, 0)),
            pl.BlockSpec((dim, bulk), lambda i: (0, 0)),
            pl.BlockSpec((1, bulk), lambda i: (0, 0)),
        ],
        out_specs=pl.BlockSpec((bsz, bulk), lambda i: (0, 0)),
        out_shape=jax.ShapeDtypeStruct((bsz, bulk), jnp.float32),
    )(counts, char_embed, pos_embed, w_t, bias_row)


def kernel(chars, char_embed, pos_embed, to_bulk_w, to_bulk_b):
    bsz, seq = chars.shape
    vocab, _ = char_embed.shape
    counts = _histogram_sc(chars, vocab)
    w_t = to_bulk_w.T
    bias_row = to_bulk_b.reshape(1, -1)
    return _dense_tc(counts, char_embed, pos_embed, w_t, bias_row, seq)

# --- scband reference (transcript-rebuilt; emitter-appended) ---
"""Pipeline reference for scband-code-embedder-43224550867041 (READ-ONLY COPY).

The authoritative reference and input builder live on the scoring server;
editing this copy changes nothing except your own understanding.
"""

import jax, jax.numpy as jnp
import numpy as np

B = 512           # batch of code snippets
L = 2048          # chars per snippet (<= max_code_length)
MAX_LEN = 8192    # max_code_length (pos_embed rows)
V = 256           # vocab_size (byte-level)
D = 64            # embed_dim
BULK = 512        # to_bulk output dim


def setup_inputs(seed: int = 0) -> dict:
    key = jax.random.key(seed)
    k1, k2, k3, k4 = jax.random.split(key, 4)
    chars = jax.random.randint(k1, (B, L), 0, V, dtype=jnp.int32)
    char_embed = jax.random.normal(k2, (V, D), dtype=jnp.float32)
    pos_embed = jax.random.normal(k3, (MAX_LEN, D), dtype=jnp.float32) * 0.02
    # torch nn.Linear(embed_dim, 512): weight shape (512, 64), bias (512,)
    to_bulk_w = jax.random.normal(k4, (BULK, D), dtype=jnp.float32) * (1.0 / np.sqrt(D))
    to_bulk_b = jnp.zeros((BULK,), dtype=jnp.float32)
    return {
        'chars': chars,
        'char_embed': char_embed,
        'pos_embed': pos_embed,
        'to_bulk_w': to_bulk_w,
        'to_bulk_b': to_bulk_b,
    }


def reference(chars, char_embed, pos_embed, to_bulk_w, to_bulk_b):
    # chars: int32[B, L] byte indices (the `code` string as char codes, batched)
    # char_embed gather: nn.Embedding(vocab_size, embed_dim)
    embedded = jnp.take(char_embed, chars, axis=0)          # [B, L, D]
    # add learned positional embedding for first L positions
    embedded = embedded + pos_embed[None, :chars.shape[1], :]
    # mean pool over char dimension (dim=0 in the unbatched original)
    pooled = embedded.mean(axis=1)                          # [B, D]
    # to_bulk linear: project to 512-D bulk vector
    bulk = pooled @ to_bulk_w.T + to_bulk_b                 # [B, 512]
    return bulk

if __name__ == "__main__":
    import jax
    _d = setup_inputs()
    print(jax.jit(kernel)(*tuple(_d.values())))

</pallas_src>

<mosaic_0001>
#map = affine_map<(d0, d1) -> (0, 0)>
module attributes {stable_mosaic.version = 14 : i64} {
  func.func @hist_kernel(%arg0: i32, %arg1: i32, %arg2: memref<512x2048xi32, #tpu.memory_space<hbm>>, %arg3: memref<512x256xf32, #tpu.memory_space<hbm>>, %arg4: memref<16x2048xi32, #tpu.memory_space<vmem>>, %arg5: memref<256xf32, #tpu.memory_space<vmem>>, %arg6: memref<16x256xf32, #tpu.memory_space<vmem>>) attributes {dimension_semantics = [#tpu.dimension_semantics<core_parallel>, #tpu.dimension_semantics<subcore_parallel>], iteration_bounds = array<i64: 2, 16>, scalar_prefetch = 0 : i64, scratch_operands = 3 : i64, tpu.core_type = #tpu.core_type<sc_vector_subcore>, window_params = [{transform_indices = #map}, {transform_indices = #map}]} {
    %mul3A = arith.constant 2 : i32
    %mul3A_0 = arith.muli %arg1, %mul3A : i32
    %add3A = arith.addi %mul3A_0, %arg0 : i32
    %mul3A_1 = arith.constant 16 : i32
    %mul3A_2 = arith.muli %add3A, %mul3A_1 : i32
    "tpu.region"() ({
      %run_scoped3A = tpu.sem_alloc : memref<!tpu.dma_semaphore, #tpu.memory_space<semaphore_mem>>
      %dma_start3A = arith.constant 0 : i32
      %dma_start3A_236 = tpu.memref_slice %arg2[%mul3A_2, %dma_start3A] : memref<512x2048xi32, #tpu.memory_space<hbm>> -> memref<16x2048xi32, #tpu.memory_space<hbm>>
      %dma_start3A_237 = arith.constant 0 : i32
      %dma_start3A_238 = tpu.memref_slice %arg2[%mul3A_2, %dma_start3A_237] : memref<512x2048xi32, #tpu.memory_space<hbm>> -> memref<16x2048xi32, #tpu.memory_space<hbm>>
      tpu.enqueue_dma source(%dma_start3A_238 : memref<16x2048xi32, #tpu.memory_space<hbm>>) target(%arg4 : memref<16x2048xi32, #tpu.memory_space<vmem>>) target_semaphore(%run_scoped3A : memref<!tpu.dma_semaphore, #tpu.memory_space<semaphore_mem>>)
      %dma_wait3A = arith.constant 0 : i32
      %dma_wait3A_239 = tpu.memref_slice %arg2[%mul3A_2, %dma_wait3A] : memref<512x2048xi32, #tpu.memory_space<hbm>> -> memref<16x2048xi32, #tpu.memory_space<hbm>>
      %dma_wait3A_240 = arith.constant 0 : i32
      %dma_wait3A_241 = tpu.memref_slice %arg2[%mul3A_2, %dma_wait3A_240] : memref<512x2048xi32, #tpu.memory_space<hbm>> -> memref<16x2048xi32, #tpu.memory_space<hbm>>
      tpu.wait_dma2 semaphore(%run_scoped3A : memref<!tpu.dma_semaphore, #tpu.memory_space<semaphore_mem>>) src(%dma_wait3A_241 : memref<16x2048xi32, #tpu.memory_space<hbm>>) dst(%arg4 : memref<16x2048xi32, #tpu.memory_space<vmem>>)
      tpu.yield
    }) : () -> ()
    %broadcast_in_dim3A = arith.constant 1.000000e+00 : f32
    %broadcast_in_dim3A_3 = vector.broadcast %broadcast_in_dim3A : f32 to vector<16xf32>
    %broadcast_in_dim3A_4 = arith.constant 0.000000e+00 : f32
    %broadcast_in_dim3A_5 = vector.broadcast %broadcast_in_dim3A_4 : f32 to vector<16xf32>
    %scan3A = arith.constant 0 : i32
    %scan3A_6 = arith.constant 0 : i32
    %scan3A_7 = arith.constant 16 : i32
    %scan3A_8 = arith.addi %scan3A_6, %scan3A_7 : i32
    %scan3A_9 = arith.constant 1 : i32
    %scan3A_10 = scf.for %scan3A_236 = %scan3A_6 to %scan3A_8 step %scan3A_9 iter_args(%scan3A_237 = %scan3A) -> (i32)  : i32 {
      %mul3A_238 = arith.constant 16 : i32
      %mul3A_239 = arith.muli %scan3A_236, %mul3A_238 : i32
      %swap3A = arith.index_cast %mul3A_239 : i32 to index
      %swap3A_240 = tpu.vector_load %arg5[%swap3A] {strides = array<i32>} : memref<256xf32, #tpu.memory_space<vmem>>, vector<16xf32>,
      tpu.vector_store %arg5[%swap3A], %broadcast_in_dim3A_5 {strides = array<i32>} : memref<256xf32, #tpu.memory_space<vmem>>, vector<16xf32>,
      %scan3A_241 = arith.constant 0 : i32
      scf.yield %scan3A_241 : i32
    }
    %scan3A_11 = arith.constant 16 : i32
    %scan3A_12 = arith.constant 0 : i32
    %scan3A_13 = arith.constant 0 : i32
    %scan3A_14 = arith.constant 16 : i32
    %scan3A_15 = arith.addi %scan3A_13, %scan3A_14 : i32
    %scan3A_16 = arith.constant 1 : i32
    %scan3A_17 = scf.for %scan3A_236 = %scan3A_13 to %scan3A_15 step %scan3A_16 iter_args(%scan3A_237 = %scan3A_12) -> (i32)  : i32 {
      %mul3A_238 = arith.constant 8 : i32
      %mul3A_239 = arith.muli %scan3A_236, %mul3A_238 : i32
      %add3A_240 = arith.constant 0 : i32
      %add3A_241 = arith.addi %mul3A_239, %add3A_240 : i32
      %mul3A_242 = arith.constant 16 : i32
      %mul3A_243 = arith.muli %add3A_241, %mul3A_242 : i32
      %get3A = arith.constant 0 : i32
      %get3A_244 = arith.index_cast %get3A : i32 to index
      %get3A_245 = arith.index_cast %mul3A_243 : i32 to index
      %get3A_246 = tpu.vector_load %arg4[%get3A_244, %get3A_245] {strides = array<i32>} : memref<16x2048xi32, #tpu.memory_space<vmem>>, vector<16xi32>,
      tpu.vector_store_idx %arg5[%get3A_246], %broadcast_in_dim3A_3 {add = true} : memref<256xf32, #tpu.memory_space<vmem>>[vector<16xi32>], vector<16xf32>,
      %mul3A_247 = arith.constant 8 : i32
      %mul3A_248 = arith.muli %scan3A_236, %mul3A_247 : i32
      %add3A_249 = arith.constant 1 : i32
      %add3A_250 = arith.addi %mul3A_248, %add3A_249 : i32
      %mul3A_251 = arith.constant 16 : i32
      %mul3A_252 = arith.muli %add3A_250, %mul3A_251 : i32
      %get3A_253 = arith.constant 0 : i32
      %get3A_254 = arith.index_cast %get3A_253 : i32 to index
      %get3A_255 = arith.index_cast %mul3A_252 : i32 to index
      %get3A_256 = tpu.vector_load %arg4[%get3A_254, %get3A_255] {strides = array<i32>} : memref<16x2048xi32, #tpu.memory_space<vmem>>, vector<16xi32>,
      tpu.vector_store_idx %arg5[%get3A_256], %broadcast_in_dim3A_3 {add = true} : memref<256xf32, #tpu.memory_space<vmem>>[vector<16xi32>], vector<16xf32>,
      %mul3A_257 = arith.constant 8 : i32
      %mul3A_258 = arith.muli %scan3A_236, %mul3A_257 : i32
      %add3A_259 = arith.constant 2 : i32
      %add3A_260 = arith.addi %mul3A_258, %add3A_259 : i32
      %mul3A_261 = arith.constant 16 : i32
      %mul3A_262 = arith.muli %add3A_260, %mul3A_261 : i32
      %get3A_263 = arith.constant 0 : i32
      %get3A_264 = arith.index_cast %get3A_263 : i32 to index
      %get3A_265 = arith.index_cast %mul3A_262 : i32 to index
      %get3A_266 = tpu.vector_load %arg4[%get3A_264, %get3A_265] {strides = array<i32>} : memref<16x2048xi32, #tpu.memory_space<vmem>>, vector<16xi32>,
      tpu.vector_store_idx %arg5[%get3A_266], %broadcast_in_dim3A_3 {add = true} : memref<256xf32, #tpu.memory_space<vmem>>[vector<16xi32>], vector<16xf32>,
      %mul3A_267 = arith.constant 8 : i32
      %mul3A_268 = arith.muli %scan3A_236, %mul3A_267 : i32
      %add3A_269 = arith.constant 3 : i32
      %add3A_270 = arith.addi %mul3A_268, %add3A_269 : i32
      %mul3A_271 = arith.constant 16 : i32
      %mul3A_272 = arith.muli %add3A_270, %mul3A_271 : i32
      %get3A_273 = arith.constant 0 : i32
      %get3A_274 = arith.index_cast %get3A_273 : i32 to index
      %get3A_275 = arith.index_cast %mul3A_272 : i32 to index
      %get3A_276 = tpu.vector_load %arg4[%get3A_274, %get3A_275] {strides = array<i32>} : memref<16x2048xi32, #tpu.memory_space<vmem>>, vector<16xi32>,
      tpu.vector_store_idx %arg5[%get3A_276], %broadcast_in_dim3A_3 {add = true} : memref<256xf32, #tpu.memory_space<vmem>>[vector<16xi32>], vector<16xf32>,
      %mul3A_277 = arith.constant 8 : i32
      %mul3A_278 = arith.muli %scan3A_236, %mul3A_277 : i32
      %add3A_279 = arith.constant 4 : i32
      %add3A_280 = arith.addi %mul3A_278, %add3A_279 : i32
      %mul3A_281 = arith.constant 16 : i32
      %mul3A_282 = arith.muli %add3A_280, %mul3A_281 : i32
      %get3A_283 = arith.constant 0 : i32
      %get3A_284 = arith.index_cast %get3A_283 : i32 to index
      %get3A_285 = arith.index_cast %mul3A_282 : i32 to index
      %get3A_286 = tpu.vector_load %arg4[%get3A_284, %get3A_285] {strides = array<i32>} : memref<16x2048xi32, #tpu.memory_space<vmem>>, vector<16xi32>,
      tpu.vector_store_idx %arg5[%get3A_286], %broadcast_in_dim3A_3 {add = true} : memref<256xf32, #tpu.memory_space<vmem>>[vector<16xi32>], vector<16xf32>,
      %mul3A_287 = arith.constant 8 : i32
      %mul3A_288 = arith.muli %scan3A_236, %mul3A_287 : i32
      %add3A_289 = arith.constant 5 : i32
      %add3A_290 = arith.addi %mul3A_288, %add3A_289 : i32
      %mul3A_291 = arith.constant 16 : i32
      %mul3A_292 = arith.muli %add3A_290, %mul3A_291 : i32
      %get3A_293 = arith.constant 0 : i32
      %get3A_294 = arith.index_cast %get3A_293 : i32 to index
      %get3A_295 = arith.index_cast %mul3A_292 : i32 to index
      %get3A_296 = tpu.vector_load %arg4[%get3A_294, %get3A_295] {strides = array<i32>} : memref<16x2048xi32, #tpu.memory_space<vmem>>, vector<16xi32>,
      tpu.vector_store_idx %arg5[%get3A_296], %broadcast_in_dim3A_3 {add = true} : memref<256xf32, #tpu.memory_space<vmem>>[vector<16xi32>], vector<16xf32>,
      %mul3A_297 = arith.constant 8 : i32
      %mul3A_298 = arith.muli %scan3A_236, %mul3A_297 : i32
      %add3A_299 = arith.constant 6 : i32
      %add3A_300 = arith.addi %mul3A_298, %add3A_299 : i32
      %mul3A_301 = arith.constant 16 : i32
      %mul3A_302 = arith.muli %add3A_300, %mul3A_301 : i32
      %get3A_303 = arith.constant 0 : i32
      %get3A_304 = arith.index_cast %get3A_303 : i32 to index
      %get3A_305 = arith.index_cast %mul3A_302 : i32 to index
      %get3A_306 = tpu.vector_load %arg4[%get3A_304, %get3A_305] {strides = array<i32>} : memref<16x2048xi32, #tpu.memory_space<vmem>>, vector<16xi32>,
      tpu.vector_store_idx %arg5[%get3A_306], %broadcast_in_dim3A_3 {add = true} : memref<256xf32, #tpu.memory_space<vmem>>[vector<16xi32>], vector<16xf32>,
      %mul3A_307 = arith.constant 8 : i32
      %mul3A_308 = arith.muli %scan3A_236, %mul3A_307 : i32
      %add3A_309 = arith.constant 7 : i32
      %add3A_310 = arith.addi %mul3A_308, %add3A_309 : i32
      %mul3A_311 = arith.constant 16 : i32
      %mul3A_312 = arith.muli %add3A_310, %mul3A_311 : i32
      %get3A_313 = arith.constant 0 : i32
      %get3A_314 = arith.index_cast %get3A_313 : i32 to index
      %get3A_315 = arith.index_cast %mul3A_312 : i32 to index
      %get3A_316 = tpu.vector_load %arg4[%get3A_314, %get3A_315] {strides = array<i32>} : memref<16x2048xi32, #tpu.memory_space<vmem>>, vector<16xi32>,
      tpu.vector_store_idx %arg5[%get3A_316], %broadcast_in_dim3A_3 {add = true} : memref<256xf32, #tpu.memory_space<vmem>>[vector<16xi32>], vector<16xf32>,
      %scan3A_317 = arith.constant 0 : i32
      scf.yield %scan3A_317 : i32
    }
    %scan3A_18 = arith.constant 16 : i32
    %scan3A_19 = arith.constant 0 : i32
    %scan3A_20 = arith.constant 0 : i32
    %scan3A_21 = arith.constant 16 : i32
    %scan3A_22 = arith.addi %scan3A_20, %scan3A_21 : i32
    %scan3A_23 = arith.constant 1 : i32
    %scan3A_24 = scf.for %scan3A_236 = %scan3A_20 to %scan3A_22 step %scan3A_23 iter_args(%scan3A_237 = %scan3A_19) -> (i32)  : i32 {
      %mul3A_238 = arith.constant 16 : i32
      %mul3A_239 = arith.muli %scan3A_236, %mul3A_238 : i32
      %get3A = arith.index_cast %mul3A_239 : i32 to index
      %get3A_240 = tpu.vector_load %arg5[%get3A] {strides = array<i32>} : memref<256xf32, #tpu.memory_space<vmem>>, vector<16xf32>,
      %swap3A = arith.constant 0 : i32
      %swap3A_241 = arith.index_cast %swap3A : i32 to index
      %swap3A_242 = arith.index_cast %mul3A_239 : i32 to index
      %swap3A_243 = tpu.vector_load %arg6[%swap3A_241, %swap3A_242] {strides = array<i32>} : memref<16x256xf32, #tpu.memory_space<vmem>>, vector<16xf32>,
      tpu.vector_store %arg6[%swap3A_241, %swap3A_242], %get3A_240 {strides = array<i32>} : memref<16x256xf32, #tpu.memory_space<vmem>>, vector<16xf32>,
      %swap3A_244 = arith.index_cast %mul3A_239 : i32 to index
      %swap3A_245 = tpu.vector_load %arg5[%swap3A_244] {strides = array<i32>} : memref<256xf32, #tpu.memory_space<vmem>>, vector<16xf32>,
      tpu.vector_store %arg5[%swap3A_244], %broadcast_in_dim3A_5 {strides = array<i32>} : memref<256xf32, #tpu.memory_space<vmem>>, vector<16xf32>,
      %scan3A_246 = arith.constant 0 : i32
      scf.yield %scan3A_246 : i32
    }
    %scan3A_25 = arith.constant 16 : i32
    %scan3A_26 = arith.constant 0 : i32
    %scan3A_27 = arith.constant 0 : i32
    %scan3A_28 = arith.constant 16 : i32
    %scan3A_29 = arith.addi %scan3A_27, %scan3A_28 : i32
    %scan3A_30 = arith.constant 1 : i32
    %scan3A_31 = scf.for %scan3A_236 = %scan3A_27 to %scan3A_29 step %scan3A_30 iter_args(%scan3A_237 = %scan3A_26) -> (i32)  : i32 {
      %mul3A_238 = arith.constant 8 : i32
      %mul3A_239 = arith.muli %scan3A_236, %mul3A_238 : i32
      %add3A_240 = arith.constant 0 : i32
      %add3A_241 = arith.addi %mul3A_239, %add3A_240 : i32
      %mul3A_242 = arith.constant 16 : i32
      %mul3A_243 = arith.muli %add3A_241, %mul3A_242 : i32
      %get3A = arith.constant 1 : i32
      %get3A_244 = arith.index_cast %get3A : i32 to index
      %get3A_245 = arith.index_cast %mul3A_243 : i32 to index
      %get3A_246 = tpu.vector_load %arg4[%get3A_244, %get3A_245] {strides = array<i32>} : memref<16x2048xi32, #tpu.memory_space<vmem>>, vector<16xi32>,
      tpu.vector_store_idx %arg5[%get3A_246], %broadcast_in_dim3A_3 {add = true} : memref<256xf32, #tpu.memory_space<vmem>>[vector<16xi32>], vector<16xf32>,
      %mul3A_247 = arith.constant 8 : i32
      %mul3A_248 = arith.muli %scan3A_236, %mul3A_247 : i32
      %add3A_249 = arith.constant 1 : i32
      %add3A_250 = arith.addi %mul3A_248, %add3A_249 : i32
      %mul3A_251 = arith.constant 16 : i32
      %mul3A_252 = arith.muli %add3A_250, %mul3A_251 : i32
      %get3A_253 = arith.constant 1 : i32
      %get3A_254 = arith.index_cast %get3A_253 : i32 to index
      %get3A_255 = arith.index_cast %mul3A_252 : i32 to index
      %get3A_256 = tpu.vector_load %arg4[%get3A_254, %get3A_255] {strides = array<i32>} : memref<16x2048xi32, #tpu.memory_space<vmem>>, vector<16xi32>,
      tpu.vector_store_idx %arg5[%get3A_256], %broadcast_in_dim3A_3 {add = true} : memref<256xf32, #tpu.memory_space<vmem>>[vector<16xi32>], vector<16xf32>,
      %mul3A_257 = arith.constant 8 : i32
      %mul3A_258 = arith.muli %scan3A_236, %mul3A_257 : i32
      %add3A_259 = arith.constant 2 : i32
      %add3A_260 = arith.addi %mul3A_258, %add3A_259 : i32
      %mul3A_261 = arith.constant 16 : i32
      %mul3A_262 = arith.muli %add3A_260, %mul3A_261 : i32
      %get3A_263 = arith.constant 1 : i32
      %get3A_264 = arith.index_cast %get3A_263 : i32 to index
      %get3A_265 = arith.index_cast %mul3A_262 : i32 to index
      %get3A_266 = tpu.vector_load %arg4[%get3A_264, %get3A_265] {strides = array<i32>} : memref<16x2048xi32, #tpu.memory_space<vmem>>, vector<16xi32>,
      tpu.vector_store_idx %arg5[%get3A_266], %broadcast_in_dim3A_3 {add = true} : memref<256xf32, #tpu.memory_space<vmem>>[vector<16xi32>], vector<16xf32>,
      %mul3A_267 = arith.constant 8 : i32
      %mul3A_268 = arith.muli %scan3A_236, %mul3A_267 : i32
      %add3A_269 = arith.constant 3 : i32
      %add3A_270 = arith.addi %mul3A_268, %add3A_269 : i32
      %mul3A_271 = arith.constant 16 : i32
      %mul3A_272 = arith.muli %add3A_270, %mul3A_271 : i32
      %get3A_273 = arith.constant 1 : i32
      %get3A_274 = arith.index_cast %get3A_273 : i32 to index
      %get3A_275 = arith.index_cast %mul3A_272 : i32 to index
      %get3A_276 = tpu.vector_load %arg4[%get3A_274, %get3A_275] {strides = array<i32>} : memref<16x2048xi32, #tpu.memory_space<vmem>>, vector<16xi32>,
      tpu.vector_store_idx %arg5[%get3A_276], %broadcast_in_dim3A_3 {add = true} : memref<256xf32, #tpu.memory_space<vmem>>[vector<16xi32>], vector<16xf32>,
      %mul3A_277 = arith.constant 8 : i32
      %mul3A_278 = arith.muli %scan3A_236, %mul3A_277 : i32
      %add3A_279 = arith.constant 4 : i32
      %add3A_280 = arith.addi %mul3A_278, %add3A_279 : i32
      %mul3A_281 = arith.constant 16 : i32
      %mul3A_282 = arith.muli %add3A_280, %mul3A_281 : i32
      %get3A_283 = arith.constant 1 : i32
      %get3A_284 = arith.index_cast %get3A_283 : i32 to index
      %get3A_285 = arith.index_cast %mul3A_282 : i32 to index
      %get3A_286 = tpu.vector_load %arg4[%get3A_284, %get3A_285] {strides = array<i32>} : memref<16x2048xi32, #tpu.memory_space<vmem>>, vector<16xi32>,
      tpu.vector_store_idx %arg5[%get3A_286], %broadcast_in_dim3A_3 {add = true} : memref<256xf32, #tpu.memory_space<vmem>>[vector<16xi32>], vector<16xf32>,
      %mul3A_287 = arith.constant 8 : i32
      %mul3A_288 = arith.muli %scan3A_236, %mul3A_287 : i32
      %add3A_289 = arith.constant 5 : i32
      %add3A_290 = arith.addi %mul3A_288, %add3A_289 : i32
      %mul3A_291 = arith.constant 16 : i32
      %mul3A_292 = arith.muli %add3A_290, %mul3A_291 : i32
      %get3A_293 = arith.constant 1 : i32
      %get3A_294 = arith.index_cast %get3A_293 : i32 to index
      %get3A_295 = arith.index_cast %mul3A_292 : i32 to index
      %get3A_296 = tpu.vector_load %arg4[%get3A_294, %get3A_295] {strides = array<i32>} : memref<16x2048xi32, #tpu.memory_space<vmem>>, vector<16xi32>,
      tpu.vector_store_idx %arg5[%get3A_296], %broadcast_in_dim3A_3 {add = true} : memref<256xf32, #tpu.memory_space<vmem>>[vector<16xi32>], vector<16xf32>,
      %mul3A_297 = arith.constant 8 : i32
      %mul3A_298 = arith.muli %scan3A_236, %mul3A_297 : i32
      %add3A_299 = arith.constant 6 : i32
      %add3A_300 = arith.addi %mul3A_298, %add3A_299 : i32
      %mul3A_301 = arith.constant 16 : i32
      %mul3A_302 = arith.muli %add3A_300, %mul3A_301 : i32
      %get3A_303 = arith.constant 1 : i32
      %get3A_304 = arith.index_cast %get3A_303 : i32 to index
      %get3A_305 = arith.index_cast %mul3A_302 : i32 to index
      %get3A_306 = tpu.vector_load %arg4[%get3A_304, %get3A_305] {strides = array<i32>} : memref<16x2048xi32, #tpu.memory_space<vmem>>, vector<16xi32>,
      tpu.vector_store_idx %arg5[%get3A_306], %broadcast_in_dim3A_3 {add = true} : memref<256xf32, #tpu.memory_space<vmem>>[vector<16xi32>], vector<16xf32>,
      %mul3A_307 = arith.constant 8 : i32
      %mul3A_308 = arith.muli %scan3A_236, %mul3A_307 : i32
      %add3A_309 = arith.constant 7 : i32
      %add3A_310 = arith.addi %mul3A_308, %add3A_309 : i32
      %mul3A_311 = arith.constant 16 : i32
      %mul3A_312 = arith.muli %add3A_310, %mul3A_311 : i32
      %get3A_313 = arith.constant 1 : i32
      %get3A_314 = arith.index_cast %get3A_313 : i32 to index
      %get3A_315 = arith.index_cast %mul3A_312 : i32 to index
      %get3A_316 = tpu.vector_load %arg4[%get3A_314, %get3A_315] {strides = array<i32>} : memref<16x2048xi32, #tpu.memory_space<vmem>>, vector<16xi32>,
      tpu.vector_store_idx %arg5[%get3A_316], %broadcast_in_dim3A_3 {add = true} : memref<256xf32, #tpu.memory_space<vmem>>[vector<16xi32>], vector<16xf32>,
      %scan3A_317 = arith.constant 0 : i32
      scf.yield %scan3A_317 : i32
    }
    %scan3A_32 = arith.constant 16 : i32
    %scan3A_33 = arith.constant 0 : i32
    %scan3A_34 = arith.constant 0 : i32
    %scan3A_35 = arith.constant 16 : i32
    %scan3A_36 = arith.addi %scan3A_34, %scan3A_35 : i32
    %scan3A_37 = arith.constant 1 : i32
    %scan3A_38 = scf.for %scan3A_236 = %scan3A_34 to %scan3A_36 step %scan3A_37 iter_args(%scan3A_237 = %scan3A_33) -> (i32)  : i32 {
      %mul3A_238 = arith.constant 16 : i32
      %mul3A_239 = arith.muli %scan3A_236, %mul3A_238 : i32
      %get3A = arith.index_cast %mul3A_239 : i32 to index
      %get3A_240 = tpu.vector_load %arg5[%get3A] {strides = array<i32>} : memref<256xf32, #tpu.memory_space<vmem>>, vector<16xf32>,
      %swap3A = arith.constant 1 : i32
      %swap3A_241 = arith.index_cast %swap3A : i32 to index
      %swap3A_242 = arith.index_cast %mul3A_239 : i32 to index
      %swap3A_243 = tpu.vector_load %arg6[%swap3A_241, %swap3A_242] {strides = array<i32>} : memref<16x256xf32, #tpu.memory_space<vmem>>, vector<16xf32>,
      tpu.vector_store %arg6[%swap3A_241, %swap3A_242], %get3A_240 {strides = array<i32>} : memref<16x256xf32, #tpu.memory_space<vmem>>, vector<16xf32>,
      %swap3A_244 = arith.index_cast %mul3A_239 : i32 to index
      %swap3A_245 = tpu.vector_load %arg5[%swap3A_244] {strides = array<i32>} : memref<256xf32, #tpu.memory_space<vmem>>, vector<16xf32>,
      tpu.vector_store %arg5[%swap3A_244], %broadcast_in_dim3A_5 {strides = array<i32>} : memref<256xf32, #tpu.memory_space<vmem>>, vector<16xf32>,
      %scan3A_246 = arith.constant 0 : i32
      scf.yield %scan3A_246 : i32
    }
    %scan3A_39 = arith.constant 16 : i32
    %scan3A_40 = arith.constant 0 : i32
    %scan3A_41 = arith.constant 0 : i32
    %scan3A_42 = arith.constant 16 : i32
    %scan3A_43 = arith.addi %scan3A_41, %scan3A_42 : i32
    %scan3A_44 = arith.constant 1 : i32
    %scan3A_45 = scf.for %scan3A_236 = %scan3A_41 to %scan3A_43 step %scan3A_44 iter_args(%scan3A_237 = %scan3A_40) -> (i32)  : i32 {
      %mul3A_238 = arith.constant 8 : i32
      %mul3A_239 = arith.muli %scan3A_236, %mul3A_238 : i32
      %add3A_240 = arith.constant 0 : i32
      %add3A_241 = arith.addi %mul3A_239, %add3A_240 : i32
      %mul3A_242 = arith.constant 16 : i32
      %mul3A_243 = arith.muli %add3A_241, %mul3A_242 : i32
      %get3A = arith.constant 2 : i32
      %get3A_244 = arith.index_cast %get3A : i32 to index
      %get3A_245 = arith.index_cast %mul3A_243 : i32 to index
      %get3A_246 = tpu.vector_load %arg4[%get3A_244, %get3A_245] {strides = array<i32>} : memref<16x2048xi32, #tpu.memory_space<vmem>>, vector<16xi32>,
      tpu.vector_store_idx %arg5[%get3A_246], %broadcast_in_dim3A_3 {add = true} : memref<256xf32, #tpu.memory_space<vmem>>[vector<16xi32>], vector<16xf32>,
      %mul3A_247 = arith.constant 8 : i32
      %mul3A_248 = arith.muli %scan3A_236, %mul3A_247 : i32
      %add3A_249 = arith.constant 1 : i32
      %add3A_250 = arith.addi %mul3A_248, %add3A_249 : i32
      %mul3A_251 = arith.constant 16 : i32
      %mul3A_252 = arith.muli %add3A_250, %mul3A_251 : i32
      %get3A_253 = arith.constant 2 : i32
      %get3A_254 = arith.index_cast %get3A_253 : i32 to index
      %get3A_255 = arith.index_cast %mul3A_252 : i32 to index
      %get3A_256 = tpu.vector_load %arg4[%get3A_254, %get3A_255] {strides = array<i32>} : memref<16x2048xi32, #tpu.memory_space<vmem>>, vector<16xi32>,
      tpu.vector_store_idx %arg5[%get3A_256], %broadcast_in_dim3A_3 {add = true} : memref<256xf32, #tpu.memory_space<vmem>>[vector<16xi32>], vector<16xf32>,
      %mul3A_257 = arith.constant 8 : i32
      %mul3A_258 = arith.muli %scan3A_236, %mul3A_257 : i32
      %add3A_259 = arith.constant 2 : i32
      %add3A_260 = arith.addi %mul3A_258, %add3A_259 : i32
      %mul3A_261 = arith.constant 16 : i32
      %mul3A_262 = arith.muli %add3A_260, %mul3A_261 : i32
      %get3A_263 = arith.constant 2 : i32
      %get3A_264 = arith.index_cast %get3A_263 : i32 to index
      %get3A_265 = arith.index_cast %mul3A_262 : i32 to index
      %get3A_266 = tpu.vector_load %arg4[%get3A_264, %get3A_265] {strides = array<i32>} : memref<16x2048xi32, #tpu.memory_space<vmem>>, vector<16xi32>,
      tpu.vector_store_idx %arg5[%get3A_266], %broadcast_in_dim3A_3 {add = true} : memref<256xf32, #tpu.memory_space<vmem>>[vector<16xi32>], vector<16xf32>,
      %mul3A_267 = arith.constant 8 : i32
      %mul3A_268 = arith.muli %scan3A_236, %mul3A_267 : i32
      %add3A_269 = arith.constant 3 : i32
      %add3A_270 = arith.addi %mul3A_268, %add3A_269 : i32
      %mul3A_271 = arith.constant 16 : i32
      %mul3A_272 = arith.muli %add3A_270, %mul3A_271 : i32
      %get3A_273 = arith.constant 2 : i32
      %get3A_274 = arith.index_cast %get3A_273 : i32 to index
      %get3A_275 = arith.index_cast %mul3A_272 : i32 to index
      %get3A_276 = tpu.vector_load %arg4[%get3A_274, %get3A_275] {strides = array<i32>} : memref<16x2048xi32, #tpu.memory_space<vmem>>, vector<16xi32>,
      tpu.vector_store_idx %arg5[%get3A_276], %broadcast_in_dim3A_3 {add = true} : memref<256xf32, #tpu.memory_space<vmem>>[vector<16xi32>], vector<16xf32>,
      %mul3A_277 = arith.constant 8 : i32
      %mul3A_278 = arith.muli %scan3A_236, %mul3A_277 : i32
      %add3A_279 = arith.constant 4 : i32
      %add3A_280 = arith.addi %mul3A_278, %add3A_279 : i32
      %mul3A_281 = arith.constant 16 : i32
      %mul3A_282 = arith.muli %add3A_280, %mul3A_281 : i32
      %get3A_283 = arith.constant 2 : i32
      %get3A_284 = arith.index_cast %get3A_283 : i32 to index
      %get3A_285 = arith.index_cast %mul3A_282 : i32 to index
      %get3A_286 = tpu.vector_load %arg4[%get3A_284, %get3A_285] {strides = array<i32>} : memref<16x2048xi32, #tpu.memory_space<vmem>>, vector<16xi32>,
      tpu.vector_store_idx %arg5[%get3A_286], %broadcast_in_dim3A_3 {add = true} : memref<256xf32, #tpu.memory_space<vmem>>[vector<16xi32>], vector<16xf32>,
      %mul3A_287 = arith.constant 8 : i32
      %mul3A_288 = arith.muli %scan3A_236, %mul3A_287 : i32
      %add3A_289 = arith.constant 5 : i32
      %add3A_290 = arith.addi %mul3A_288, %add3A_289 : i32
      %mul3A_291 = arith.constant 16 : i32
      %mul3A_292 = arith.muli %add3A_290, %mul3A_291 : i32
      %get3A_293 = arith.constant 2 : i32
      %get3A_294 = arith.index_cast %get3A_293 : i32 to index
      %get3A_295 = arith.index_cast %mul3A_292 : i32 to index
      %get3A_296 = tpu.vector_load %arg4[%get3A_294, %get3A_295] {strides = array<i32>} : memref<16x2048xi32, #tpu.memory_space<vmem>>, vector<16xi32>,
      tpu.vector_store_idx %arg5[%get3A_296], %broadcast_in_dim3A_3 {add = true} : memref<256xf32, #tpu.memory_space<vmem>>[vector<16xi32>], vector<16xf32>,
      %mul3A_297 = arith.constant 8 : i32
      %mul3A_298 = arith.muli %scan3A_236, %mul3A_297 : i32
      %add3A_299 = arith.constant 6 : i32
      %add3A_300 = arith.addi %mul3A_298, %add3A_299 : i32
      %mul3A_301 = arith.constant 16 : i32
      %mul3A_302 = arith.muli %add3A_300, %mul3A_301 : i32
      %get3A_303 = arith.constant 2 : i32
      %get3A_304 = arith.index_cast %get3A_303 : i32 to index
      %get3A_305 = arith.index_cast %mul3A_302 : i32 to index
      %get3A_306 = tpu.vector_load %arg4[%get3A_304, %get3A_305] {strides = array<i32>} : memref<16x2048xi32, #tpu.memory_space<vmem>>, vector<16xi32>,
      tpu.vector_store_idx %arg5[%get3A_306], %broadcast_in_dim3A_3 {add = true} : memref<256xf32, #tpu.memory_space<vmem>>[vector<16xi32>], vector<16xf32>,
      %mul3A_307 = arith.constant 8 : i32
      %mul3A_308 = arith.muli %scan3A_236, %mul3A_307 : i32
      %add3A_309 = arith.constant 7 : i32
      %add3A_310 = arith.addi %mul3A_308, %add3A_309 : i32
      %mul3A_311 = arith.constant 16 : i32
      %mul3A_312 = arith.muli %add3A_310, %mul3A_311 : i32
      %get3A_313 = arith.constant 2 : i32
      %get3A_314 = arith.index_cast %get3A_313 : i32 to index
      %get3A_315 = arith.index_cast %mul3A_312 : i32 to index
      %get3A_316 = tpu.vector_load %arg4[%get3A_314, %get3A_315] {strides = array<i32>} : memref<16x2048xi32, #tpu.memory_space<vmem>>, vector<16xi32>,
      tpu.vector_store_idx %arg5[%get3A_316], %broadcast_in_dim3A_3 {add = true} : memref<256xf32, #tpu.memory_space<vmem>>[vector<16xi32>], vector<16xf32>,
      %scan3A_317 = arith.constant 0 : i32
      scf.yield %scan3A_317 : i32
    }
    %scan3A_46 = arith.constant 16 : i32
    %scan3A_47 = arith.constant 0 : i32
    %scan3A_48 = arith.constant 0 : i32
    %scan3A_49 = arith.constant 16 : i32
    %scan3A_50 = arith.addi %scan3A_48, %scan3A_49 : i32
    %scan3A_51 = arith.constant 1 : i32
    %scan3A_52 = scf.for %scan3A_236 = %scan3A_48 to %scan3A_50 step %scan3A_51 iter_args(%scan3A_237 = %scan3A_47) -> (i32)  : i32 {
      %mul3A_238 = arith.constant 16 : i32
      %mul3A_239 = arith.muli %scan3A_236, %mul3A_238 : i32
      %get3A = arith.index_cast %mul3A_239 : i32 to index
      %get3A_240 = tpu.vector_load %arg5[%get3A] {strides = array<i32>} : memref<256xf32, #tpu.memory_space<vmem>>, vector<16xf32>,
      %swap3A = arith.constant 2 : i32
      %swap3A_241 = arith.index_cast %swap3A : i32 to index
      %swap3A_242 = arith.index_cast %mul3A_239 : i32 to index
      %swap3A_243 = tpu.vector_load %arg6[%swap3A_241, %swap3A_242] {strides = array<i32>} : memref<16x256xf32, #tpu.memory_space<vmem>>, vector<16xf32>,
      tpu.vector_store %arg6[%swap3A_241, %swap3A_242], %get3A_240 {strides = array<i32>} : memref<16x256xf32, #tpu.memory_space<vmem>>, vector<16xf32>,
      %swap3A_244 = arith.index_cast %mul3A_239 : i32 to index
      %swap3A_245 = tpu.vector_load %arg5[%swap3A_244] {strides = array<i32>} : memref<256xf32, #tpu.memory_space<vmem>>, vector<16xf32>,
      tpu.vector_store %arg5[%swap3A_244], %broadcast_in_dim3A_5 {strides = array<i32>} : memref<256xf32, #tpu.memory_space<vmem>>, vector<16xf32>,
      %scan3A_246 = arith.constant 0 : i32
      scf.yield %scan3A_246 : i32
    }
    %scan3A_53 = arith.constant 16 : i32
    %scan3A_54 = arith.constant 0 : i32
    %scan3A_55 = arith.constant 0 : i32
    %scan3A_56 = arith.constant 16 : i32
    %scan3A_57 = arith.addi %scan3A_55, %scan3A_56 : i32
    %scan3A_58 = arith.constant 1 : i32
    %scan3A_59 = scf.for %scan3A_236 = %scan3A_55 to %scan3A_57 step %scan3A_58 iter_args(%scan3A_237 = %scan3A_54) -> (i32)  : i32 {
      %mul3A_238 = arith.constant 8 : i32
      %mul3A_239 = arith.muli %scan3A_236, %mul3A_238 : i32
      %add3A_240 = arith.constant 0 : i32
      %add3A_241 = arith.addi %mul3A_239, %add3A_240 : i32
      %mul3A_242 = arith.constant 16 : i32
      %mul3A_243 = arith.muli %add3A_241, %mul3A_242 : i32
      %get3A = arith.constant 3 : i32
      %get3A_244 = arith.index_cast %get3A : i32 to index
      %get3A_245 = arith.index_cast %mul3A_243 : i32 to index
      %get3A_246 = tpu.vector_load %arg4[%get3A_244, %get3A_245] {strides = array<i32>} : memref<16x2048xi32, #tpu.memory_space<vmem>>, vector<16xi32>,
      tpu.vector_store_idx %arg5[%get3A_246], %broadcast_in_dim3A_3 {add = true} : memref<256xf32, #tpu.memory_space<vmem>>[vector<16xi32>], vector<16xf32>,
      %mul3A_247 = arith.constant 8 : i32
      %mul3A_248 = arith.muli %scan3A_236, %mul3A_247 : i32
      %add3A_249 = arith.constant 1 : i32
      %add3A_250 = arith.addi %mul3A_248, %add3A_249 : i32
      %mul3A_251 = arith.constant 16 : i32
      %mul3A_252 = arith.muli %add3A_250, %mul3A_251 : i32
      %get3A_253 = arith.constant 3 : i32
      %get3A_254 = arith.index_cast %get3A_253 : i32 to index
      %get3A_255 = arith.index_cast %mul3A_252 : i32 to index
      %get3A_256 = tpu.vector_load %arg4[%get3A_254, %get3A_255] {strides = array<i32>} : memref<16x2048xi32, #tpu.memory_space<vmem>>, vector<16xi32>,
      tpu.vector_store_idx %arg5[%get3A_256], %broadcast_in_dim3A_3 {add = true} : memref<256xf32, #tpu.memory_space<vmem>>[vector<16xi32>], vector<16xf32>,
      %mul3A_257 = arith.constant 8 : i32
      %mul3A_258 = arith.muli %scan3A_236, %mul3A_257 : i32
      %add3A_259 = arith.constant 2 : i32
      %add3A_260 = arith.addi %mul3A_258, %add3A_259 : i32
      %mul3A_261 = arith.constant 16 : i32
      %mul3A_262 = arith.muli %add3A_260, %mul3A_261 : i32
      %get3A_263 = arith.constant 3 : i32
      %get3A_264 = arith.index_cast %get3A_263 : i32 to index
      %get3A_265 = arith.index_cast %mul3A_262 : i32 to index
      %get3A_266 = tpu.vector_load %arg4[%get3A_264, %get3A_265] {strides = array<i32>} : memref<16x2048xi32, #tpu.memory_space<vmem>>, vector<16xi32>,
      tpu.vector_store_idx %arg5[%get3A_266], %broadcast_in_dim3A_3 {add = true} : memref<256xf32, #tpu.memory_space<vmem>>[vector<16xi32>], vector<16xf32>,
      %mul3A_267 = arith.constant 8 : i32
      %mul3A_268 = arith.muli %scan3A_236, %mul3A_267 : i32
      %add3A_269 = arith.constant 3 : i32
      %add3A_270 = arith.addi %mul3A_268, %add3A_269 : i32
      %mul3A_271 = arith.constant 16 : i32
      %mul3A_272 = arith.muli %add3A_270, %mul3A_271 : i32
      %get3A_273 = arith.constant 3 : i32
      %get3A_274 = arith.index_cast %get3A_273 : i32 to index
      %get3A_275 = arith.index_cast %mul3A_272 : i32 to index
      %get3A_276 = tpu.vector_load %arg4[%get3A_274, %get3A_275] {strides = array<i32>} : memref<16x2048xi32, #tpu.memory_space<vmem>>, vector<16xi32>,
      tpu.vector_store_idx %arg5[%get3A_276], %broadcast_in_dim3A_3 {add = true} : memref<256xf32, #tpu.memory_space<vmem>>[vector<16xi32>], vector<16xf32>,
      %mul3A_277 = arith.constant 8 : i32
      %mul3A_278 = arith.muli %scan3A_236, %mul3A_277 : i32
      %add3A_279 = arith.constant 4 : i32
      %add3A_280 = arith.addi %mul3A_278, %add3A_279 : i32
      %mul3A_281 = arith.constant 16 : i32
      %mul3A_282 = arith.muli %add3A_280, %mul3A_281 : i32
      %get3A_283 = arith.constant 3 : i32
      %get3A_284 = arith.index_cast %get3A_283 : i32 to index
      %get3A_285 = arith.index_cast %mul3A_282 : i32 to index
      %get3A_286 = tpu.vector_load %arg4[%get3A_284, %get3A_285] {strides = array<i32>} : memref<16x2048xi32, #tpu.memory_space<vmem>>, vector<16xi32>,
      tpu.vector_store_idx %arg5[%get3A_286], %broadcast_in_dim3A_3 {add = true} : memref<256xf32, #tpu.memory_space<vmem>>[vector<16xi32>], vector<16xf32>,
      %mul3A_287 = arith.constant 8 : i32
      %mul3A_288 = arith.muli %scan3A_236, %mul3A_287 : i32
      %add3A_289 = arith.constant 5 : i32
      %add3A_290 = arith.addi %mul3A_288, %add3A_289 : i32
      %mul3A_291 = arith.constant 16 : i32
      %mul3A_292 = arith.muli %add3A_290, %mul3A_291 : i32
      %get3A_293 = arith.constant 3 : i32
      %get3A_294 = arith.index_cast %get3A_293 : i32 to index
      %get3A_295 = arith.index_cast %mul3A_292 : i32 to index
      %get3A_296 = tpu.vector_load %arg4[%get3A_294, %get3A_295] {strides = array<i32>} : memref<16x2048xi32, #tpu.memory_space<vmem>>, vector<16xi32>,
      tpu.vector_store_idx %arg5[%get3A_296], %broadcast_in_dim3A_3 {add = true} : memref<256xf32, #tpu.memory_space<vmem>>[vector<16xi32>], vector<16xf32>,
      %mul3A_297 = arith.constant 8 : i32
      %mul3A_298 = arith.muli %scan3A_236, %mul3A_297 : i32
      %add3A_299 = arith.constant 6 : i32
      %add3A_300 = arith.addi %mul3A_298, %add3A_299 : i32
      %mul3A_301 = arith.constant 16 : i32
      %mul3A_302 = arith.muli %add3A_300, %mul3A_301 : i32
      %get3A_303 = arith.constant 3 : i32
      %get3A_304 = arith.index_cast %get3A_303 : i32 to index
      %get3A_305 = arith.index_cast %mul3A_302 : i32 to index
      %get3A_306 = tpu.vector_load %arg4[%get3A_304, %get3A_305] {strides = array<i32>} : memref<16x2048xi32, #tpu.memory_space<vmem>>, vector<16xi32>,
      tpu.vector_store_idx %arg5[%get3A_306], %broadcast_in_dim3A_3 {add = true} : memref<256xf32, #tpu.memory_space<vmem>>[vector<16xi32>], vector<16xf32>,
      %mul3A_307 = arith.constant 8 : i32
      %mul3A_308 = arith.muli %scan3A_236, %mul3A_307 : i32
      %add3A_309 = arith.constant 7 : i32
      %add3A_310 = arith.addi %mul3A_308, %add3A_309 : i32
      %mul3A_311 = arith.constant 16 : i32
      %mul3A_312 = arith.muli %add3A_310, %mul3A_311 : i32
      %get3A_313 = arith.constant 3 : i32
      %get3A_314 = arith.index_cast %get3A_313 : i32 to index
      %get3A_315 = arith.index_cast %mul3A_312 : i32 to index
      %get3A_316 = tpu.vector_load %arg4[%get3A_314, %get3A_315] {strides = array<i32>} : memref<16x2048xi32, #tpu.memory_space<vmem>>, vector<16xi32>,
      tpu.vector_store_idx %arg5[%get3A_316], %broadcast_in_dim3A_3 {add = true} : memref<256xf32, #tpu.memory_space<vmem>>[vector<16xi32>], vector<16xf32>,
      %scan3A_317 = arith.constant 0 : i32
      scf.yield %scan3A_317 : i32
    }
    %scan3A_60 = arith.constant 16 : i32
    %scan3A_61 = arith.constant 0 : i32
    %scan3A_62 = arith.constant 0 : i32
    %scan3A_63 = arith.constant 16 : i32
    %scan3A_64 = arith.addi %scan3A_62, %scan3A_63 : i32
    %scan3A_65 = arith.constant 1 : i32
    %scan3A_66 = scf.for %scan3A_236 = %scan3A_62 to %scan3A_64 step %scan3A_65 iter_args(%scan3A_237 = %scan3A_61) -> (i32)  : i32 {
      %mul3A_238 = arith.constant 16 : i32
      %mul3A_239 = arith.muli %scan3A_236, %mul3A_238 : i32
      %get3A = arith.index_cast %mul3A_239 : i32 to index
      %get3A_240 = tpu.vector_load %arg5[%get3A] {strides = array<i32>} : memref<256xf32, #tpu.memory_space<vmem>>, vector<16xf32>,
      %swap3A = arith.constant 3 : i32
      %swap3A_241 = arith.index_cast %swap3A : i32 to index
      %swap3A_242 = arith.index_cast %mul3A_239 : i32 to index
      %swap3A_243 = tpu.vector_load %arg6[%swap3A_241, %swap3A_242] {strides = array<i32>} : memref<16x256xf32, #tpu.memory_space<vmem>>, vector<16xf32>,
      tpu.vector_store %arg6[%swap3A_241, %swap3A_242], %get3A_240 {strides = array<i32>} : memref<16x256xf32, #tpu.memory_space<vmem>>, vector<16xf32>,
      %swap3A_244 = arith.index_cast %mul3A_239 : i32 to index
      %swap3A_245 = tpu.vector_load %arg5[%swap3A_244] {strides = array<i32>} : memref<256xf32, #tpu.memory_space<vmem>>, vector<16xf32>,
      tpu.vector_store %arg5[%swap3A_244], %broadcast_in_dim3A_5 {strides = array<i32>} : memref<256xf32, #tpu.memory_space<vmem>>, vector<16xf32>,
      %scan3A_246 = arith.constant 0 : i32
      scf.yield %scan3A_246 : i32
    }
    %scan3A_67 = arith.constant 16 : i32
    %scan3A_68 = arith.constant 0 : i32
    %scan3A_69 = arith.constant 0 : i32
    %scan3A_70 = arith.constant 16 : i32
    %scan3A_71 = arith.addi %scan3A_69, %scan3A_70 : i32
    %scan3A_72 = arith.constant 1 : i32
    %scan3A_73 = scf.for %scan3A_236 = %scan3A_69 to %scan3A_71 step %scan3A_72 iter_args(%scan3A_237 = %scan3A_68) -> (i32)  : i32 {
      %mul3A_238 = arith.constant 8 : i32
      %mul3A_239 = arith.muli %scan3A_236, %mul3A_238 : i32
      %add3A_240 = arith.constant 0 : i32
      %add3A_241 = arith.addi %mul3A_239, %add3A_240 : i32
      %mul3A_242 = arith.constant 16 : i32
      %mul3A_243 = arith.muli %add3A_241, %mul3A_242 : i32
      %get3A = arith.constant 4 : i32
      %get3A_244 = arith.index_cast %get3A : i32 to index
      %get3A_245 = arith.index_cast %mul3A_243 : i32 to index
      %get3A_246 = tpu.vector_load %arg4[%get3A_244, %get3A_245] {strides = array<i32>} : memref<16x2048xi32, #tpu.memory_space<vmem>>, vector<16xi32>,
      tpu.vector_store_idx %arg5[%get3A_246], %broadcast_in_dim3A_3 {add = true} : memref<256xf32, #tpu.memory_space<vmem>>[vector<16xi32>], vector<16xf32>,
      %mul3A_247 = arith.constant 8 : i32
      %mul3A_248 = arith.muli %scan3A_236, %mul3A_247 : i32
      %add3A_249 = arith.constant 1 : i32
      %add3A_250 = arith.addi %mul3A_248, %add3A_249 : i32
      %mul3A_251 = arith.constant 16 : i32
      %mul3A_252 = arith.muli %add3A_250, %mul3A_251 : i32
      %get3A_253 = arith.constant 4 : i32
      %get3A_254 = arith.index_cast %get3A_253 : i32 to index
      %get3A_255 = arith.index_cast %mul3A_252 : i32 to index
      %get3A_256 = tpu.vector_load %arg4[%get3A_254, %get3A_255] {strides = array<i32>} : memref<16x2048xi32, #tpu.memory_space<vmem>>, vector<16xi32>,
      tpu.vector_store_idx %arg5[%get3A_256], %broadcast_in_dim3A_3 {add = true} : memref<256xf32, #tpu.memory_space<vmem>>[vector<16xi32>], vector<16xf32>,
      %mul3A_257 = arith.constant 8 : i32
      %mul3A_258 = arith.muli %scan3A_236, %mul3A_257 : i32
      %add3A_259 = arith.constant 2 : i32
      %add3A_260 = arith.addi %mul3A_258, %add3A_259 : i32
      %mul3A_261 = arith.constant 16 : i32
      %mul3A_262 = arith.muli %add3A_260, %mul3A_261 : i32
      %get3A_263 = arith.constant 4 : i32
      %get3A_264 = arith.index_cast %get3A_263 : i32 to index
      %get3A_265 = arith.index_cast %mul3A_262 : i32 to index
      %get3A_266 = tpu.vector_load %arg4[%get3A_264, %get3A_265] {strides = array<i32>} : memref<16x2048xi32, #tpu.memory_space<vmem>>, vector<16xi32>,
      tpu.vector_store_idx %arg5[%get3A_266], %broadcast_in_dim3A_3 {add = true} : memref<256xf32, #tpu.memory_space<vmem>>[vector<16xi32>], vector<16xf32>,
      %mul3A_267 = arith.constant 8 : i32
      %mul3A_268 = arith.muli %scan3A_236, %mul3A_267 : i32
      %add3A_269 = arith.constant 3 : i32
      %add3A_270 = arith.addi %mul3A_268, %add3A_269 : i32
      %mul3A_271 = arith.constant 16 : i32
      %mul3A_272 = arith.muli %add3A_270, %mul3A_271 : i32
      %get3A_273 = arith.constant 4 : i32
      %get3A_274 = arith.index_cast %get3A_273 : i32 to index
      %get3A_275 = arith.index_cast %mul3A_272 : i32 to index
      %get3A_276 = tpu.vector_load %arg4[%get3A_274, %get3A_275] {strides = array<i32>} : memref<16x2048xi32, #tpu.memory_space<vmem>>, vector<16xi32>,
      tpu.vector_store_idx %arg5[%get3A_276], %broadcast_in_dim3A_3 {add = true} : memref<256xf32, #tpu.memory_space<vmem>>[vector<16xi32>], vector<16xf32>,
      %mul3A_277 = arith.constant 8 : i32
      %mul3A_278 = arith.muli %scan3A_236, %mul3A_277 : i32
      %add3A_279 = arith.constant 4 : i32
      %add3A_280 = arith.addi %mul3A_278, %add3A_279 : i32
      %mul3A_281 = arith.constant 16 : i32
      %mul3A_282 = arith.muli %add3A_280, %mul3A_281 : i32
      %get3A_283 = arith.constant 4 : i32
      %get3A_284 = arith.index_cast %get3A_283 : i32 to index
      %get3A_285 = arith.index_cast %mul3A_282 : i32 to index
      %get3A_286 = tpu.vector_load %arg4[%get3A_284, %get3A_285] {strides = array<i32>} : memref<16x2048xi32, #tpu.memory_space<vmem>>, vector<16xi32>,
      tpu.vector_store_idx %arg5[%get3A_286], %broadcast_in_dim3A_3 {add = true} : memref<256xf32, #tpu.memory_space<vmem>>[vector<16xi32>], vector<16xf32>,
      %mul3A_287 = arith.constant 8 : i32
      %mul3A_288 = arith.muli %scan3A_236, %mul3A_287 : i32
      %add3A_289 = arith.constant 5 : i32
      %add3A_290 = arith.addi %mul3A_288, %add3A_289 : i32
      %mul3A_291 = arith.constant 16 : i32
      %mul3A_292 = arith.muli %add3A_290, %mul3A_291 : i32
      %get3A_293 = arith.constant 4 : i32
      %get3A_294 = arith.index_cast %get3A_293 : i32 to index
      %get3A_295 = arith.index_cast %mul3A_292 : i32 to index
      %get3A_296 = tpu.vector_load %arg4[%get3A_294, %get3A_295] {strides = array<i32>} : memref<16x2048xi32, #tpu.memory_space<vmem>>, vector<16xi32>,
      tpu.vector_store_idx %arg5[%get3A_296], %broadcast_in_dim3A_3 {add = true} : memref<256xf32, #tpu.memory_space<vmem>>[vector<16xi32>], vector<16xf32>,
      %mul3A_297 = arith.constant 8 : i32
      %mul3A_298 = arith.muli %scan3A_236, %mul3A_297 : i32
      %add3A_299 = arith.constant 6 : i32
      %add3A_300 = arith.addi %mul3A_298, %add3A_299 : i32
      %mul3A_301 = arith.constant 16 : i32
      %mul3A_302 = arith.muli %add3A_300, %mul3A_301 : i32
      %get3A_303 = arith.constant 4 : i32
      %get3A_304 = arith.index_cast %get3A_303 : i32 to index
      %get3A_305 = arith.index_cast %mul3A_302 : i32 to index
      %get3A_306 = tpu.vector_load %arg4[%get3A_304, %get3A_305] {strides = array<i32>} : memref<16x2048xi32, #tpu.memory_space<vmem>>, vector<16xi32>,
      tpu.vector_store_idx %arg5[%get3A_306], %broadcast_in_dim3A_3 {add = true} : memref<256xf32, #tpu.memory_space<vmem>>[vector<16xi32>], vector<16xf32>,
      %mul3A_307 = arith.constant 8 : i32
      %mul3A_308 = arith.muli %scan3A_236, %mul3A_307 : i32
      %add3A_309 = arith.constant 7 : i32
      %add3A_310 = arith.addi %mul3A_308, %add3A_309 : i32
      %mul3A_311 = arith.constant 16 : i32
      %mul3A_312 = arith.muli %add3A_310, %mul3A_311 : i32
      %get3A_313 = arith.constant 4 : i32
      %get3A_314 = arith.index_cast %get3A_313 : i32 to index
      %get3A_315 = arith.index_cast %mul3A_312 : i32 to index
      %get3A_316 = tpu.vector_load %arg4[%get3A_314, %get3A_315] {strides = array<i32>} : memref<16x2048xi32, #tpu.memory_space<vmem>>, vector<16xi32>,
      tpu.vector_store_idx %arg5[%get3A_316], %broadcast_in_dim3A_3 {add = true} : memref<256xf32, #tpu.memory_space<vmem>>[vector<16xi32>], vector<16xf32>,
      %scan3A_317 = arith.constant 0 : i32
      scf.yield %scan3A_317 : i32
    }
    %scan3A_74 = arith.constant 16 : i32
    %scan3A_75 = arith.constant 0 : i32
    %scan3A_76 = arith.constant 0 : i32
    %scan3A_77 = arith.constant 16 : i32
    %scan3A_78 = arith.addi %scan3A_76, %scan3A_77 : i32
    %scan3A_79 = arith.constant 1 : i32
    %scan3A_80 = scf.for %scan3A_236 = %scan3A_76 to %scan3A_78 step %scan3A_79 iter_args(%scan3A_237 = %scan3A_75) -> (i32)  : i32 {
      %mul3A_238 = arith.constant 16 : i32
      %mul3A_239 = arith.muli %scan3A_236, %mul3A_238 : i32
      %get3A = arith.index_cast %mul3A_239 : i32 to index
      %get3A_240 = tpu.vector_load %arg5[%get3A] {strides = array<i32>} : memref<256xf32, #tpu.memory_space<vmem>>, vector<16xf32>,
      %swap3A = arith.constant 4 : i32
      %swap3A_241 = arith.index_cast %swap3A : i32 to index
      %swap3A_242 = arith.index_cast %mul3A_239 : i32 to index
      %swap3A_243 = tpu.vector_load %arg6[%swap3A_241, %swap3A_242] {strides = array<i32>} : memref<16x256xf32, #tpu.memory_space<vmem>>, vector<16xf32>,
      tpu.vector_store %arg6[%swap3A_241, %swap3A_242], %get3A_240 {strides = array<i32>} : memref<16x256xf32, #tpu.memory_space<vmem>>, vector<16xf32>,
      %swap3A_244 = arith.index_cast %mul3A_239 : i32 to index
      %swap3A_245 = tpu.vector_load %arg5[%swap3A_244] {strides = array<i32>} : memref<256xf32, #tpu.memory_space<vmem>>, vector<16xf32>,
      tpu.vector_store %arg5[%swap3A_244], %broadcast_in_dim3A_5 {strides = array<i32>} : memref<256xf32, #tpu.memory_space<vmem>>, vector<16xf32>,
      %scan3A_246 = arith.constant 0 : i32
      scf.yield %scan3A_246 : i32
    }
    %scan3A_81 = arith.constant 16 : i32
    %scan3A_82 = arith.constant 0 : i32
    %scan3A_83 = arith.constant 0 : i32
    %scan3A_84 = arith.constant 16 : i32
    %scan3A_85 = arith.addi %scan3A_83, %scan3A_84 : i32
    %scan3A_86 = arith.constant 1 : i32
    %scan3A_87 = scf.for %scan3A_236 = %scan3A_83 to %scan3A_85 step %scan3A_86 iter_args(%scan3A_237 = %scan3A_82) -> (i32)  : i32 {
      %mul3A_238 = arith.constant 8 : i32
      %mul3A_239 = arith.muli %scan3A_236, %mul3A_238 : i32
      %add3A_240 = arith.constant 0 : i32
      %add3A_241 = arith.addi %mul3A_239, %add3A_240 : i32
      %mul3A_242 = arith.constant 16 : i32
      %mul3A_243 = arith.muli %add3A_241, %mul3A_242 : i32
      %get3A = arith.constant 5 : i32
      %get3A_244 = arith.index_cast %get3A : i32 to index
      %get3A_245 = arith.index_cast %mul3A_243 : i32 to index
      %get3A_246 = tpu.vector_load %arg4[%get3A_244, %get3A_245] {strides = array<i32>} : memref<16x2048xi32, #tpu.memory_space<vmem>>, vector<16xi32>,
      tpu.vector_store_idx %arg5[%get3A_246], %broadcast_in_dim3A_3 {add = true} : memref<256xf32, #tpu.memory_space<vmem>>[vector<16xi32>], vector<16xf32>,
      %mul3A_247 = arith.constant 8 : i32
      %mul3A_248 = arith.muli %scan3A_236, %mul3A_247 : i32
      %add3A_249 = arith.constant 1 : i32
      %add3A_250 = arith.addi %mul3A_248, %add3A_249 : i32
      %mul3A_251 = arith.constant 16 : i32
      %mul3A_252 = arith.muli %add3A_250, %mul3A_251 : i32
      %get3A_253 = arith.constant 5 : i32
      %get3A_254 = arith.index_cast %get3A_253 : i32 to index
      %get3A_255 = arith.index_cast %mul3A_252 : i32 to index
      %get3A_256 = tpu.vector_load %arg4[%get3A_254, %get3A_255] {strides = array<i32>} : memref<16x2048xi32, #tpu.memory_space<vmem>>, vector<16xi32>,
      tpu.vector_store_idx %arg5[%get3A_256], %broadcast_in_dim3A_3 {add = true} : memref<256xf32, #tpu.memory_space<vmem>>[vector<16xi32>], vector<16xf32>,
      %mul3A_257 = arith.constant 8 : i32
      %mul3A_258 = arith.muli %scan3A_236, %mul3A_257 : i32
      %add3A_259 = arith.constant 2 : i32
      %add3A_260 = arith.addi %mul3A_258, %add3A_259 : i32
      %mul3A_261 = arith.constant 16 : i32
      %mul3A_262 = arith.muli %add3A_260, %mul3A_261 : i32
      %get3A_263 = arith.constant 5 : i32
      %get3A_264 = arith.index_cast %get3A_263 : i32 to index
      %get3A_265 = arith.index_cast %mul3A_262 : i32 to index
      %get3A_266 = tpu.vector_load %arg4[%get3A_264, %get3A_265] {strides = array<i32>} : memref<16x2048xi32, #tpu.memory_space<vmem>>, vector<16xi32>,
      tpu.vector_store_idx %arg5[%get3A_266], %broadcast_in_dim3A_3 {add = true} : memref<256xf32, #tpu.memory_space<vmem>>[vector<16xi32>], vector<16xf32>,
      %mul3A_267 = arith.constant 8 : i32
      %mul3A_268 = arith.muli %scan3A_236, %mul3A_267 : i32
      %add3A_269 = arith.constant 3 : i32
      %add3A_270 = arith.addi %mul3A_268, %add3A_269 : i32
      %mul3A_271 = arith.constant 16 : i32
      %mul3A_272 = arith.muli %add3A_270, %mul3A_271 : i32
      %get3A_273 = arith.constant 5 : i32
      %get3A_274 = arith.index_cast %get3A_273 : i32 to index
      %get3A_275 = arith.index_cast %mul3A_272 : i32 to index
      %get3A_276 = tpu.vector_load %arg4[%get3A_274, %get3A_275] {strides = array<i32>} : memref<16x2048xi32, #tpu.memory_space<vmem>>, vector<16xi32>,
      tpu.vector_store_idx %arg5[%get3A_276], %broadcast_in_dim3A_3 {add = true} : memref<256xf32, #tpu.memory_space<vmem>>[vector<16xi32>], vector<16xf32>,
      %mul3A_277 = arith.constant 8 : i32
      %mul3A_278 = arith.muli %scan3A_236, %mul3A_277 : i32
      %add3A_279 = arith.constant 4 : i32
      %add3A_280 = arith.addi %mul3A_278, %add3A_279 : i32
      %mul3A_281 = arith.constant 16 : i32
      %mul3A_282 = arith.muli %add3A_280, %mul3A_281 : i32
      %get3A_283 = arith.constant 5 : i32
      %get3A_284 = arith.index_cast %get3A_283 : i32 to index
      %get3A_285 = arith.index_cast %mul3A_282 : i32 to index
      %get3A_286 = tpu.vector_load %arg4[%get3A_284, %get3A_285] {strides = array<i32>} : memref<16x2048xi32, #tpu.memory_space<vmem>>, vector<16xi32>,
      tpu.vector_store_idx %arg5[%get3A_286], %broadcast_in_dim3A_3 {add = true} : memref<256xf32, #tpu.memory_space<vmem>>[vector<16xi32>], vector<16xf32>,
      %mul3A_287 = arith.constant 8 : i32
      %mul3A_288 = arith.muli %scan3A_236, %mul3A_287 : i32
      %add3A_289 = arith.constant 5 : i32
      %add3A_290 = arith.addi %mul3A_288, %add3A_289 : i32
      %mul3A_291 = arith.constant 16 : i32
      %mul3A_292 = arith.muli %add3A_290, %mul3A_291 : i32
      %get3A_293 = arith.constant 5 : i32
      %get3A_294 = arith.index_cast %get3A_293 : i32 to index
      %get3A_295 = arith.index_cast %mul3A_292 : i32 to index
      %get3A_296 = tpu.vector_load %arg4[%get3A_294, %get3A_295] {strides = array<i32>} : memref<16x2048xi32, #tpu.memory_space<vmem>>, vector<16xi32>,
      tpu.vector_store_idx %arg5[%get3A_296], %broadcast_in_dim3A_3 {add = true} : memref<256xf32, #tpu.memory_space<vmem>>[vector<16xi32>], vector<16xf32>,
      %mul3A_297 = arith.constant 8 : i32
      %mul3A_298 = arith.muli %scan3A_236, %mul3A_297 : i32
      %add3A_299 = arith.constant 6 : i32
      %add3A_300 = arith.addi %mul3A_298, %add3A_299 : i32
      %mul3A_301 = arith.constant 16 : i32
      %mul3A_302 = arith.muli %add3A_300, %mul3A_301 : i32
      %get3A_303 = arith.constant 5 : i32
      %get3A_304 = arith.index_cast %get3A_303 : i32 to index
      %get3A_305 = arith.index_cast %mul3A_302 : i32 to index
      %get3A_306 = tpu.vector_load %arg4[%get3A_304, %get3A_305] {strides = array<i32>} : memref<16x2048xi32, #tpu.memory_space<vmem>>, vector<16xi32>,
      tpu.vector_store_idx %arg5[%get3A_306], %broadcast_in_dim3A_3 {add = true} : memref<256xf32, #tpu.memory_space<vmem>>[vector<16xi32>], vector<16xf32>,
      %mul3A_307 = arith.constant 8 : i32
      %mul3A_308 = arith.muli %scan3A_236, %mul3A_307 : i32
      %add3A_309 = arith.constant 7 : i32
      %add3A_310 = arith.addi %mul3A_308, %add3A_309 : i32
      %mul3A_311 = arith.constant 16 : i32
      %mul3A_312 = arith.muli %add3A_310, %mul3A_311 : i32
      %get3A_313 = arith.constant 5 : i32
      %get3A_314 = arith.index_cast %get3A_313 : i32 to index
      %get3A_315 = arith.index_cast %mul3A_312 : i32 to index
      %get3A_316 = tpu.vector_load %arg4[%get3A_314, %get3A_315] {strides = array<i32>} : memref<16x2048xi32, #tpu.memory_space<vmem>>, vector<16xi32>,
      tpu.vector_store_idx %arg5[%get3A_316], %broadcast_in_dim3A_3 {add = true} : memref<256xf32, #tpu.memory_space<vmem>>[vector<16xi32>], vector<16xf32>,
      %scan3A_317 = arith.constant 0 : i32
      scf.yield %scan3A_317 : i32
    }
    %scan3A_88 = arith.constant 16 : i32
    %scan3A_89 = arith.constant 0 : i32
    %scan3A_90 = arith.constant 0 : i32
    %scan3A_91 = arith.constant 16 : i32
    %scan3A_92 = arith.addi %scan3A_90, %scan3A_91 : i32
    %scan3A_93 = arith.constant 1 : i32
    %scan3A_94 = scf.for %scan3A_236 = %scan3A_90 to %scan3A_92 step %scan3A_93 iter_args(%scan3A_237 = %scan3A_89) -> (i32)  : i32 {
      %mul3A_238 = arith.constant 16 : i32
      %mul3A_239 = arith.muli %scan3A_236, %mul3A_238 : i32
      %get3A = arith.index_cast %mul3A_239 : i32 to index
      %get3A_240 = tpu.vector_load %arg5[%get3A] {strides = array<i32>} : memref<256xf32, #tpu.memory_space<vmem>>, vector<16xf32>,
      %swap3A = arith.constant 5 : i32
      %swap3A_241 = arith.index_cast %swap3A : i32 to index
      %swap3A_242 = arith.index_cast %mul3A_239 : i32 to index
      %swap3A_243 = tpu.vector_load %arg6[%swap3A_241, %swap3A_242] {strides = array<i32>} : memref<16x256xf32, #tpu.memory_space<vmem>>, vector<16xf32>,
      tpu.vector_store %arg6[%swap3A_241, %swap3A_242], %get3A_240 {strides = array<i32>} : memref<16x256xf32, #tpu.memory_space<vmem>>, vector<16xf32>,
      %swap3A_244 = arith.index_cast %mul3A_239 : i32 to index
      %swap3A_245 = tpu.vector_load %arg5[%swap3A_244] {strides = array<i32>} : memref<256xf32, #tpu.memory_space<vmem>>, vector<16xf32>,
      tpu.vector_store %arg5[%swap3A_244], %broadcast_in_dim3A_5 {strides = array<i32>} : memref<256xf32, #tpu.memory_space<vmem>>, vector<16xf32>,
      %scan3A_246 = arith.constant 0 : i32
      scf.yield %scan3A_246 : i32
    }
    %scan3A_95 = arith.constant 16 : i32
    %scan3A_96 = arith.constant 0 : i32
    %scan3A_97 = arith.constant 0 : i32
    %scan3A_98 = arith.constant 16 : i32
    %scan3A_99 = arith.addi %scan3A_97, %scan3A_98 : i32
    %scan3A_100 = arith.constant 1 : i32
    %scan3A_101 = scf.for %scan3A_236 = %scan3A_97 to %scan3A_99 step %scan3A_100 iter_args(%scan3A_237 = %scan3A_96) -> (i32)  : i32 {
      %mul3A_238 = arith.constant 8 : i32
      %mul3A_239 = arith.muli %scan3A_236, %mul3A_238 : i32
      %add3A_240 = arith.constant 0 : i32
      %add3A_241 = arith.addi %mul3A_239, %add3A_240 : i32
      %mul3A_242 = arith.constant 16 : i32
      %mul3A_243 = arith.muli %add3A_241, %mul3A_242 : i32
      %get3A = arith.constant 6 : i32
      %get3A_244 = arith.index_cast %get3A : i32 to index
      %get3A_245 = arith.index_cast %mul3A_243 : i32 to index
      %get3A_246 = tpu.vector_load %arg4[%get3A_244, %get3A_245] {strides = array<i32>} : memref<16x2048xi32, #tpu.memory_space<vmem>>, vector<16xi32>,
      tpu.vector_store_idx %arg5[%get3A_246], %broadcast_in_dim3A_3 {add = true} : memref<256xf32, #tpu.memory_space<vmem>>[vector<16xi32>], vector<16xf32>,
      %mul3A_247 = arith.constant 8 : i32
      %mul3A_248 = arith.muli %scan3A_236, %mul3A_247 : i32
      %add3A_249 = arith.constant 1 : i32
      %add3A_250 = arith.addi %mul3A_248, %add3A_249 : i32
      %mul3A_251 = arith.constant 16 : i32
      %mul3A_252 = arith.muli %add3A_250, %mul3A_251 : i32
      %get3A_253 = arith.constant 6 : i32
      %get3A_254 = arith.index_cast %get3A_253 : i32 to index
      %get3A_255 = arith.index_cast %mul3A_252 : i32 to index
      %get3A_256 = tpu.vector_load %arg4[%get3A_254, %get3A_255] {strides = array<i32>} : memref<16x2048xi32, #tpu.memory_space<vmem>>, vector<16xi32>,
      tpu.vector_store_idx %arg5[%get3A_256], %broadcast_in_dim3A_3 {add = true} : memref<256xf32, #tpu.memory_space<vmem>>[vector<16xi32>], vector<16xf32>,
      %mul3A_257 = arith.constant 8 : i32
      %mul3A_258 = arith.muli %scan3A_236, %mul3A_257 : i32
      %add3A_259 = arith.constant 2 : i32
      %add3A_260 = arith.addi %mul3A_258, %add3A_259 : i32
      %mul3A_261 = arith.constant 16 : i32
      %mul3A_262 = arith.muli %add3A_260, %mul3A_261 : i32
      %get3A_263 = arith.constant 6 : i32
      %get3A_264 = arith.index_cast %get3A_263 : i32 to index
      %get3A_265 = arith.index_cast %mul3A_262 : i32 to index
      %get3A_266 = tpu.vector_load %arg4[%get3A_264, %get3A_265] {strides = array<i32>} : memref<16x2048xi32, #tpu.memory_space<vmem>>, vector<16xi32>,
      tpu.vector_store_idx %arg5[%get3A_266], %broadcast_in_dim3A_3 {add = true} : memref<256xf32, #tpu.memory_space<vmem>>[vector<16xi32>], vector<16xf32>,
      %mul3A_267 = arith.constant 8 : i32
      %mul3A_268 = arith.muli %scan3A_236, %mul3A_267 : i32
      %add3A_269 = arith.constant 3 : i32
      %add3A_270 = arith.addi %mul3A_268, %add3A_269 : i32
      %mul3A_271 = arith.constant 16 : i32
      %mul3A_272 = arith.muli %add3A_270, %mul3A_271 : i32
      %get3A_273 = arith.constant 6 : i32
      %get3A_274 = arith.index_cast %get3A_273 : i32 to index
      %get3A_275 = arith.index_cast %mul3A_272 : i32 to index
      %get3A_276 = tpu.vector_load %arg4[%get3A_274, %get3A_275] {strides = array<i32>} : memref<16x2048xi32, #tpu.memory_space<vmem>>, vector<16xi32>,
      tpu.vector_store_idx %arg5[%get3A_276], %broadcast_in_dim3A_3 {add = true} : memref<256xf32, #tpu.memory_space<vmem>>[vector<16xi32>], vector<16xf32>,
      %mul3A_277 = arith.constant 8 : i32
      %mul3A_278 = arith.muli %scan3A_236, %mul3A_277 : i32
      %add3A_279 = arith.constant 4 : i32
      %add3A_280 = arith.addi %mul3A_278, %add3A_279 : i32
      %mul3A_281 = arith.constant 16 : i32
      %mul3A_282 = arith.muli %add3A_280, %mul3A_281 : i32
      %get3A_283 = arith.constant 6 : i32
      %get3A_284 = arith.index_cast %get3A_283 : i32 to index
      %get3A_285 = arith.index_cast %mul3A_282 : i32 to index
      %get3A_286 = tpu.vector_load %arg4[%get3A_284, %get3A_285] {strides = array<i32>} : memref<16x2048xi32, #tpu.memory_space<vmem>>, vector<16xi32>,
      tpu.vector_store_idx %arg5[%get3A_286], %broadcast_in_dim3A_3 {add = true} : memref<256xf32, #tpu.memory_space<vmem>>[vector<16xi32>], vector<16xf32>,
      %mul3A_287 = arith.constant 8 : i32
      %mul3A_288 = arith.muli %scan3A_236, %mul3A_287 : i32
      %add3A_289 = arith.constant 5 : i32
      %add3A_290 = arith.addi %mul3A_288, %add3A_289 : i32
      %mul3A_291 = arith.constant 16 : i32
      %mul3A_292 = arith.muli %add3A_290, %mul3A_291 : i32
      %get3A_293 = arith.constant 6 : i32
      %get3A_294 = arith.index_cast %get3A_293 : i32 to index
      %get3A_295 = arith.index_cast %mul3A_292 : i32 to index
      %get3A_296 = tpu.vector_load %arg4[%get3A_294, %get3A_295] {strides = array<i32>} : memref<16x2048xi32, #tpu.memory_space<vmem>>, vector<16xi32>,
      tpu.vector_store_idx %arg5[%get3A_296], %broadcast_in_dim3A_3 {add = true} : memref<256xf32, #tpu.memory_space<vmem>>[vector<16xi32>], vector<16xf32>,
      %mul3A_297 = arith.constant 8 : i32
      %mul3A_298 = arith.muli %scan3A_236, %mul3A_297 : i32
      %add3A_299 = arith.constant 6 : i32
      %add3A_300 = arith.addi %mul3A_298, %add3A_299 : i32
      %mul3A_301 = arith.constant 16 : i32
      %mul3A_302 = arith.muli %add3A_300, %mul3A_301 : i32
      %get3A_303 = arith.constant 6 : i32
      %get3A_304 = arith.index_cast %get3A_303 : i32 to index
      %get3A_305 = arith.index_cast %mul3A_302 : i32 to index
      %get3A_306 = tpu.vector_load %arg4[%get3A_304, %get3A_305] {strides = array<i32>} : memref<16x2048xi32, #tpu.memory_space<vmem>>, vector<16xi32>,
      tpu.vector_store_idx %arg5[%get3A_306], %broadcast_in_dim3A_3 {add = true} : memref<256xf32, #tpu.memory_space<vmem>>[vector<16xi32>], vector<16xf32>,
      %mul3A_307 = arith.constant 8 : i32
      %mul3A_308 = arith.muli %scan3A_236, %mul3A_307 : i32
      %add3A_309 = arith.constant 7 : i32
      %add3A_310 = arith.addi %mul3A_308, %add3A_309 : i32
      %mul3A_311 = arith.constant 16 : i32
      %mul3A_312 = arith.muli %add3A_310, %mul3A_311 : i32
      %get3A_313 = arith.constant 6 : i32
      %get3A_314 = arith.index_cast %get3A_313 : i32 to index
      %get3A_315 = arith.index_cast %mul3A_312 : i32 to index
      %get3A_316 = tpu.vector_load %arg4[%get3A_314, %get3A_315] {strides = array<i32>} : memref<16x2048xi32, #tpu.memory_space<vmem>>, vector<16xi32>,
      tpu.vector_store_idx %arg5[%get3A_316], %broadcast_in_dim3A_3 {add = true} : memref<256xf32, #tpu.memory_space<vmem>>[vector<16xi32>], vector<16xf32>,
      %scan3A_317 = arith.constant 0 : i32
      scf.yield %scan3A_317 : i32
    }
    %scan3A_102 = arith.constant 16 : i32
    %scan3A_103 = arith.constant 0 : i32
    %scan3A_104 = arith.constant 0 : i32
    %scan3A_105 = arith.constant 16 : i32
    %scan3A_106 = arith.addi %scan3A_104, %scan3A_105 : i32
    %scan3A_107 = arith.constant 1 : i32
    %scan3A_108 = scf.for %scan3A_236 = %scan3A_104 to %scan3A_106 step %scan3A_107 iter_args(%scan3A_237 = %scan3A_103) -> (i32)  : i32 {
      %mul3A_238 = arith.constant 16 : i32
      %mul3A_239 = arith.muli %scan3A_236, %mul3A_238 : i32
      %get3A = arith.index_cast %mul3A_239 : i32 to index
      %get3A_240 = tpu.vector_load %arg5[%get3A] {strides = array<i32>} : memref<256xf32, #tpu.memory_space<vmem>>, vector<16xf32>,
      %swap3A = arith.constant 6 : i32
      %swap3A_241 = arith.index_cast %swap3A : i32 to index
      %swap3A_242 = arith.index_cast %mul3A_239 : i32 to index
      %swap3A_243 = tpu.vector_load %arg6[%swap3A_241, %swap3A_242] {strides = array<i32>} : memref<16x256xf32, #tpu.memory_space<vmem>>, vector<16xf32>,
      tpu.vector_store %arg6[%swap3A_241, %swap3A_242], %get3A_240 {strides = array<i32>} : memref<16x256xf32, #tpu.memory_space<vmem>>, vector<16xf32>,
      %swap3A_244 = arith.index_cast %mul3A_239 : i32 to index
      %swap3A_245 = tpu.vector_load %arg5[%swap3A_244] {strides = array<i32>} : memref<256xf32, #tpu.memory_space<vmem>>, vector<16xf32>,
      tpu.vector_store %arg5[%swap3A_244], %broadcast_in_dim3A_5 {strides = array<i32>} : memref<256xf32, #tpu.memory_space<vmem>>, vector<16xf32>,
      %scan3A_246 = arith.constant 0 : i32
      scf.yield %scan3A_246 : i32
    }
    %scan3A_109 = arith.constant 16 : i32
    %scan3A_110 = arith.constant 0 : i32
    %scan3A_111 = arith.constant 0 : i32
    %scan3A_112 = arith.constant 16 : i32
    %scan3A_113 = arith.addi %scan3A_111, %scan3A_112 : i32
    %scan3A_114 = arith.constant 1 : i32
    %scan3A_115 = scf.for %scan3A_236 = %scan3A_111 to %scan3A_113 step %scan3A_114 iter_args(%scan3A_237 = %scan3A_110) -> (i32)  : i32 {
      %mul3A_238 = arith.constant 8 : i32
      %mul3A_239 = arith.muli %scan3A_236, %mul3A_238 : i32
      %add3A_240 = arith.constant 0 : i32
      %add3A_241 = arith.addi %mul3A_239, %add3A_240 : i32
      %mul3A_242 = arith.constant 16 : i32
      %mul3A_243 = arith.muli %add3A_241, %mul3A_242 : i32
      %get3A = arith.constant 7 : i32
      %get3A_244 = arith.index_cast %get3A : i32 to index
      %get3A_245 = arith.index_cast %mul3A_243 : i32 to index
      %get3A_246 = tpu.vector_load %arg4[%get3A_244, %get3A_245] {strides = array<i32>} : memref<16x2048xi32, #tpu.memory_space<vmem>>, vector<16xi32>,
      tpu.vector_store_idx %arg5[%get3A_246], %broadcast_in_dim3A_3 {add = true} : memref<256xf32, #tpu.memory_space<vmem>>[vector<16xi32>], vector<16xf32>,
      %mul3A_247 = arith.constant 8 : i32
      %mul3A_248 = arith.muli %scan3A_236, %mul3A_247 : i32
      %add3A_249 = arith.constant 1 : i32
      %add3A_250 = arith.addi %mul3A_248, %add3A_249 : i32
      %mul3A_251 = arith.constant 16 : i32
      %mul3A_252 = arith.muli %add3A_250, %mul3A_251 : i32
      %get3A_253 = arith.constant 7 : i32
      %get3A_254 = arith.index_cast %get3A_253 : i32 to index
      %get3A_255 = arith.index_cast %mul3A_252 : i32 to index
      %get3A_256 = tpu.vector_load %arg4[%get3A_254, %get3A_255] {strides = array<i32>} : memref<16x2048xi32, #tpu.memory_space<vmem>>, vector<16xi32>,
      tpu.vector_store_idx %arg5[%get3A_256], %broadcast_in_dim3A_3 {add = true} : memref<256xf32, #tpu.memory_space<vmem>>[vector<16xi32>], vector<16xf32>,
      %mul3A_257 = arith.constant 8 : i32
      %mul3A_258 = arith.muli %scan3A_236, %mul3A_257 : i32
      %add3A_259 = arith.constant 2 : i32
      %add3A_260 = arith.addi %mul3A_258, %add3A_259 : i32
      %mul3A_261 = arith.constant 16 : i32
      %mul3A_262 = arith.muli %add3A_260, %mul3A_261 : i32
      %get3A_263 = arith.constant 7 : i32
      %get3A_264 = arith.index_cast %get3A_263 : i32 to index
      %get3A_265 = arith.index_cast %mul3A_262 : i32 to index
      %get3A_266 = tpu.vector_load %arg4[%get3A_264, %get3A_265] {strides = array<i32>} : memref<16x2048xi32, #tpu.memory_space<vmem>>, vector<16xi32>,
      tpu.vector_store_idx %arg5[%get3A_266], %broadcast_in_dim3A_3 {add = true} : memref<256xf32, #tpu.memory_space<vmem>>[vector<16xi32>], vector<16xf32>,
      %mul3A_267 = arith.constant 8 : i32
      %mul3A_268 = arith.muli %scan3A_236, %mul3A_267 : i32
      %add3A_269 = arith.constant 3 : i32
      %add3A_270 = arith.addi %mul3A_268, %add3A_269 : i32
      %mul3A_271 = arith.constant 16 : i32
      %mul3A_272 = arith.muli %add3A_270, %mul3A_271 : i32
      %get3A_273 = arith.constant 7 : i32
      %get3A_274 = arith.index_cast %get3A_273 : i32 to index
      %get3A_275 = arith.index_cast %mul3A_272 : i32 to index
      %get3A_276 = tpu.vector_load %arg4[%get3A_274, %get3A_275] {strides = array<i32>} : memref<16x2048xi32, #tpu.memory_space<vmem>>, vector<16xi32>,
      tpu.vector_store_idx %arg5[%get3A_276], %broadcast_in_dim3A_3 {add = true} : memref<256xf32, #tpu.memory_space<vmem>>[vector<16xi32>], vector<16xf32>,
      %mul3A_277 = arith.constant 8 : i32
      %mul3A_278 = arith.muli %scan3A_236, %mul3A_277 : i32
      %add3A_279 = arith.constant 4 : i32
      %add3A_280 = arith.addi %mul3A_278, %add3A_279 : i32
      %mul3A_281 = arith.constant 16 : i32
      %mul3A_282 = arith.muli %add3A_280, %mul3A_281 : i32
      %get3A_283 = arith.constant 7 : i32
      %get3A_284 = arith.index_cast %get3A_283 : i32 to index
      %get3A_285 = arith.index_cast %mul3A_282 : i32 to index
      %get3A_286 = tpu.vector_load %arg4[%get3A_284, %get3A_285] {strides = array<i32>} : memref<16x2048xi32, #tpu.memory_space<vmem>>, vector<16xi32>,
      tpu.vector_store_idx %arg5[%get3A_286], %broadcast_in_dim3A_3 {add = true} : memref<256xf32, #tpu.memory_space<vmem>>[vector<16xi32>], vector<16xf32>,
      %mul3A_287 = arith.constant 8 : i32
      %mul3A_288 = arith.muli %scan3A_236, %mul3A_287 : i32
      %add3A_289 = arith.constant 5 : i32
      %add3A_290 = arith.addi %mul3A_288, %add3A_289 : i32
      %mul3A_291 = arith.constant 16 : i32
      %mul3A_292 = arith.muli %add3A_290, %mul3A_291 : i32
      %get3A_293 = arith.constant 7 : i32
      %get3A_294 = arith.index_cast %get3A_293 : i32 to index
      %get3A_295 = arith.index_cast %mul3A_292 : i32 to index
      %get3A_296 = tpu.vector_load %arg4[%get3A_294, %get3A_295] {strides = array<i32>} : memref<16x2048xi32, #tpu.memory_space<vmem>>, vector<16xi32>,
      tpu.vector_store_idx %arg5[%get3A_296], %broadcast_in_dim3A_3 {add = true} : memref<256xf32, #tpu.memory_space<vmem>>[vector<16xi32>], vector<16xf32>,
      %mul3A_297 = arith.constant 8 : i32
      %mul3A_298 = arith.muli %scan3A_236, %mul3A_297 : i32
      %add3A_299 = arith.constant 6 : i32
      %add3A_300 = arith.addi %mul3A_298, %add3A_299 : i32
      %mul3A_301 = arith.constant 16 : i32
      %mul3A_302 = arith.muli %add3A_300, %mul3A_301 : i32
      %get3A_303 = arith.constant 7 : i32
      %get3A_304 = arith.index_cast %get3A_303 : i32 to index
      %get3A_305 = arith.index_cast %mul3A_302 : i32 to index
      %get3A_306 = tpu.vector_load %arg4[%get3A_304, %get3A_305] {strides = array<i32>} : memref<16x2048xi32, #tpu.memory_space<vmem>>, vector<16xi32>,
      tpu.vector_store_idx %arg5[%get3A_306], %broadcast_in_dim3A_3 {add = true} : memref<256xf32, #tpu.memory_space<vmem>>[vector<16xi32>], vector<16xf32>,
      %mul3A_307 = arith.constant 8 : i32
      %mul3A_308 = arith.muli %scan3A_236, %mul3A_307 : i32
      %add3A_309 = arith.constant 7 : i32
      %add3A_310 = arith.addi %mul3A_308, %add3A_309 : i32
      %mul3A_311 = arith.constant 16 : i32
      %mul3A_312 = arith.muli %add3A_310, %mul3A_311 : i32
      %get3A_313 = arith.constant 7 : i32
      %get3A_314 = arith.index_cast %get3A_313 : i32 to index
      %get3A_315 = arith.index_cast %mul3A_312 : i32 to index
      %get3A_316 = tpu.vector_load %arg4[%get3A_314, %get3A_315] {strides = array<i32>} : memref<16x2048xi32, #tpu.memory_space<vmem>>, vector<16xi32>,
      tpu.vector_store_idx %arg5[%get3A_316], %broadcast_in_dim3A_3 {add = true} : memref<256xf32, #tpu.memory_space<vmem>>[vector<16xi32>], vector<16xf32>,
      %scan3A_317 = arith.constant 0 : i32
      scf.yield %scan3A_317 : i32
    }
    %scan3A_116 = arith.constant 16 : i32
    %scan3A_117 = arith.constant 0 : i32
    %scan3A_118 = arith.constant 0 : i32
    %scan3A_119 = arith.constant 16 : i32
    %scan3A_120 = arith.addi %scan3A_118, %scan3A_119 : i32
    %scan3A_121 = arith.constant 1 : i32
    %scan3A_122 = scf.for %scan3A_236 = %scan3A_118 to %scan3A_120 step %scan3A_121 iter_args(%scan3A_237 = %scan3A_117) -> (i32)  : i32 {
      %mul3A_238 = arith.constant 16 : i32
      %mul3A_239 = arith.muli %scan3A_236, %mul3A_238 : i32
      %get3A = arith.index_cast %mul3A_239 : i32 to index
      %get3A_240 = tpu.vector_load %arg5[%get3A] {strides = array<i32>} : memref<256xf32, #tpu.memory_space<vmem>>, vector<16xf32>,
      %swap3A = arith.constant 7 : i32
      %swap3A_241 = arith.index_cast %swap3A : i32 to index
      %swap3A_242 = arith.index_cast %mul3A_239 : i32 to index
      %swap3A_243 = tpu.vector_load %arg6[%swap3A_241, %swap3A_242] {strides = array<i32>} : memref<16x256xf32, #tpu.memory_space<vmem>>, vector<16xf32>,
      tpu.vector_store %arg6[%swap3A_241, %swap3A_242], %get3A_240 {strides = array<i32>} : memref<16x256xf32, #tpu.memory_space<vmem>>, vector<16xf32>,
      %swap3A_244 = arith.index_cast %mul3A_239 : i32 to index
      %swap3A_245 = tpu.vector_load %arg5[%swap3A_244] {strides = array<i32>} : memref<256xf32, #tpu.memory_space<vmem>>, vector<16xf32>,
      tpu.vector_store %arg5[%swap3A_244], %broadcast_in_dim3A_5 {strides = array<i32>} : memref<256xf32, #tpu.memory_space<vmem>>, vector<16xf32>,
      %scan3A_246 = arith.constant 0 : i32
      scf.yield %scan3A_246 : i32
    }
    %scan3A_123 = arith.constant 16 : i32
    %scan3A_124 = arith.constant 0 : i32
    %scan3A_125 = arith.constant 0 : i32
    %scan3A_126 = arith.constant 16 : i32
    %scan3A_127 = arith.addi %scan3A_125, %scan3A_126 : i32
    %scan3A_128 = arith.constant 1 : i32
    %scan3A_129 = scf.for %scan3A_236 = %scan3A_125 to %scan3A_127 step %scan3A_128 iter_args(%scan3A_237 = %scan3A_124) -> (i32)  : i32 {
      %mul3A_238 = arith.constant 8 : i32
      %mul3A_239 = arith.muli %scan3A_236, %mul3A_238 : i32
      %add3A_240 = arith.constant 0 : i32
      %add3A_241 = arith.addi %mul3A_239, %add3A_240 : i32
      %mul3A_242 = arith.constant 16 : i32
      %mul3A_243 = arith.muli %add3A_241, %mul3A_242 : i32
      %get3A = arith.constant 8 : i32
      %get3A_244 = arith.index_cast %get3A : i32 to index
      %get3A_245 = arith.index_cast %mul3A_243 : i32 to index
      %get3A_246 = tpu.vector_load %arg4[%get3A_244, %get3A_245] {strides = array<i32>} : memref<16x2048xi32, #tpu.memory_space<vmem>>, vector<16xi32>,
      tpu.vector_store_idx %arg5[%get3A_246], %broadcast_in_dim3A_3 {add = true} : memref<256xf32, #tpu.memory_space<vmem>>[vector<16xi32>], vector<16xf32>,
      %mul3A_247 = arith.constant 8 : i32
      %mul3A_248 = arith.muli %scan3A_236, %mul3A_247 : i32
      %add3A_249 = arith.constant 1 : i32
      %add3A_250 = arith.addi %mul3A_248, %add3A_249 : i32
      %mul3A_251 = arith.constant 16 : i32
      %mul3A_252 = arith.muli %add3A_250, %mul3A_251 : i32
      %get3A_253 = arith.constant 8 : i32
      %get3A_254 = arith.index_cast %get3A_253 : i32 to index
      %get3A_255 = arith.index_cast %mul3A_252 : i32 to index
      %get3A_256 = tpu.vector_load %arg4[%get3A_254, %get3A_255] {strides = array<i32>} : memref<16x2048xi32, #tpu.memory_space<vmem>>, vector<16xi32>,
      tpu.vector_store_idx %arg5[%get3A_256], %broadcast_in_dim3A_3 {add = true} : memref<256xf32, #tpu.memory_space<vmem>>[vector<16xi32>], vector<16xf32>,
      %mul3A_257 = arith.constant 8 : i32
      %mul3A_258 = arith.muli %scan3A_236, %mul3A_257 : i32
      %add3A_259 = arith.constant 2 : i32
      %add3A_260 = arith.addi %mul3A_258, %add3A_259 : i32
      %mul3A_261 = arith.constant 16 : i32
      %mul3A_262 = arith.muli %add3A_260, %mul3A_261 : i32
      %get3A_263 = arith.constant 8 : i32
      %get3A_264 = arith.index_cast %get3A_263 : i32 to index
      %get3A_265 = arith.index_cast %mul3A_262 : i32 to index
      %get3A_266 = tpu.vector_load %arg4[%get3A_264, %get3A_265] {strides = array<i32>} : memref<16x2048xi32, #tpu.memory_space<vmem>>, vector<16xi32>,
      tpu.vector_store_idx %arg5[%get3A_266], %broadcast_in_dim3A_3 {add = true} : memref<256xf32, #tpu.memory_space<vmem>>[vector<16xi32>], vector<16xf32>,
      %mul3A_267 = arith.constant 8 : i32
      %mul3A_268 = arith.muli %scan3A_236, %mul3A_267 : i32
      %add3A_269 = arith.constant 3 : i32
      %add3A_270 = arith.addi %mul3A_268, %add3A_269 : i32
      %mul3A_271 = arith.constant 16 : i32
      %mul3A_272 = arith.muli %add3A_270, %mul3A_271 : i32
      %get3A_273 = arith.constant 8 : i32
      %get3A_274 = arith.index_cast %get3A_273 : i32 to index
      %get3A_275 = arith.index_cast %mul3A_272 : i32 to index
      %get3A_276 = tpu.vector_load %arg4[%get3A_274, %get3A_275] {strides = array<i32>} : memref<16x2048xi32, #tpu.memory_space<vmem>>, vector<16xi32>,
      tpu.vector_store_idx %arg5[%get3A_276], %broadcast_in_dim3A_3 {add = true} : memref<256xf32, #tpu.memory_space<vmem>>[vector<16xi32>], vector<16xf32>,
      %mul3A_277 = arith.constant 8 : i32
      %mul3A_278 = arith.muli %scan3A_236, %mul3A_277 : i32
      %add3A_279 = arith.constant 4 : i32
      %add3A_280 = arith.addi %mul3A_278, %add3A_279 : i32
      %mul3A_281 = arith.constant 16 : i32
      %mul3A_282 = arith.muli %add3A_280, %mul3A_281 : i32
      %get3A_283 = arith.constant 8 : i32
      %get3A_284 = arith.index_cast %get3A_283 : i32 to index
      %get3A_285 = arith.index_cast %mul3A_282 : i32 to index
      %get3A_286 = tpu.vector_load %arg4[%get3A_284, %get3A_285] {strides = array<i32>} : memref<16x2048xi32, #tpu.memory_space<vmem>>, vector<16xi32>,
      tpu.vector_store_idx %arg5[%get3A_286], %broadcast_in_dim3A_3 {add = true} : memref<256xf32, #tpu.memory_space<vmem>>[vector<16xi32>], vector<16xf32>,
      %mul3A_287 = arith.constant 8 : i32
      %mul3A_288 = arith.muli %scan3A_236, %mul3A_287 : i32
      %add3A_289 = arith.constant 5 : i32
      %add3A_290 = arith.addi %mul3A_288, %add3A_289 : i32
      %mul3A_291 = arith.constant 16 : i32
      %mul3A_292 = arith.muli %add3A_290, %mul3A_291 : i32
      %get3A_293 = arith.constant 8 : i32
      %get3A_294 = arith.index_cast %get3A_293 : i32 to index
      %get3A_295 = arith.index_cast %mul3A_292 : i32 to index
      %get3A_296 = tpu.vector_load %arg4[%get3A_294, %get3A_295] {strides = array<i32>} : memref<16x2048xi32, #tpu.memory_space<vmem>>, vector<16xi32>,
      tpu.vector_store_idx %arg5[%get3A_296], %broadcast_in_dim3A_3 {add = true} : memref<256xf32, #tpu.memory_space<vmem>>[vector<16xi32>], vector<16xf32>,
      %mul3A_297 = arith.constant 8 : i32
      %mul3A_298 = arith.muli %scan3A_236, %mul3A_297 : i32
      %add3A_299 = arith.constant 6 : i32
      %add3A_300 = arith.addi %mul3A_298, %add3A_299 : i32
      %mul3A_301 = arith.constant 16 : i32
      %mul3A_302 = arith.muli %add3A_300, %mul3A_301 : i32
      %get3A_303 = arith.constant 8 : i32
      %get3A_304 = arith.index_cast %get3A_303 : i32 to index
      %get3A_305 = arith.index_cast %mul3A_302 : i32 to index
      %get3A_306 = tpu.vector_load %arg4[%get3A_304, %get3A_305] {strides = array<i32>} : memref<16x2048xi32, #tpu.memory_space<vmem>>, vector<16xi32>,
      tpu.vector_store_idx %arg5[%get3A_306], %broadcast_in_dim3A_3 {add = true} : memref<256xf32, #tpu.memory_space<vmem>>[vector<16xi32>], vector<16xf32>,
      %mul3A_307 = arith.constant 8 : i32
      %mul3A_308 = arith.muli %scan3A_236, %mul3A_307 : i32
      %add3A_309 = arith.constant 7 : i32
      %add3A_310 = arith.addi %mul3A_308, %add3A_309 : i32
      %mul3A_311 = arith.constant 16 : i32
      %mul3A_312 = arith.muli %add3A_310, %mul3A_311 : i32
      %get3A_313 = arith.constant 8 : i32
      %get3A_314 = arith.index_cast %get3A_313 : i32 to index
      %get3A_315 = arith.index_cast %mul3A_312 : i32 to index
      %get3A_316 = tpu.vector_load %arg4[%get3A_314, %get3A_315] {strides = array<i32>} : memref<16x2048xi32, #tpu.memory_space<vmem>>, vector<16xi32>,
      tpu.vector_store_idx %arg5[%get3A_316], %broadcast_in_dim3A_3 {add = true} : memref<256xf32, #tpu.memory_space<vmem>>[vector<16xi32>], vector<16xf32>,
      %scan3A_317 = arith.constant 0 : i32
      scf.yield %scan3A_317 : i32
    }
    %scan3A_130 = arith.constant 16 : i32
    %scan3A_131 = arith.constant 0 : i32
    %scan3A_132 = arith.constant 0 : i32
    %scan3A_133 = arith.constant 16 : i32
    %scan3A_134 = arith.addi %scan3A_132, %scan3A_133 : i32
    %scan3A_135 = arith.constant 1 : i32
    %scan3A_136 = scf.for %scan3A_236 = %scan3A_132 to %scan3A_134 step %scan3A_135 iter_args(%scan3A_237 = %scan3A_131) -> (i32)  : i32 {
      %mul3A_238 = arith.constant 16 : i32
      %mul3A_239 = arith.muli %scan3A_236, %mul3A_238 : i32
      %get3A = arith.index_cast %mul3A_239 : i32 to index
      %get3A_240 = tpu.vector_load %arg5[%get3A] {strides = array<i32>} : memref<256xf32, #tpu.memory_space<vmem>>, vector<16xf32>,
      %swap3A = arith.constant 8 : i32
      %swap3A_241 = arith.index_cast %swap3A : i32 to index
      %swap3A_242 = arith.index_cast %mul3A_239 : i32 to index
      %swap3A_243 = tpu.vector_load %arg6[%swap3A_241, %swap3A_242] {strides = array<i32>} : memref<16x256xf32, #tpu.memory_space<vmem>>, vector<16xf32>,
      tpu.vector_store %arg6[%swap3A_241, %swap3A_242], %get3A_240 {strides = array<i32>} : memref<16x256xf32, #tpu.memory_space<vmem>>, vector<16xf32>,
      %swap3A_244 = arith.index_cast %mul3A_239 : i32 to index
      %swap3A_245 = tpu.vector_load %arg5[%swap3A_244] {strides = array<i32>} : memref<256xf32, #tpu.memory_space<vmem>>, vector<16xf32>,
      tpu.vector_store %arg5[%swap3A_244], %broadcast_in_dim3A_5 {strides = array<i32>} : memref<256xf32, #tpu.memory_space<vmem>>, vector<16xf32>,
      %scan3A_246 = arith.constant 0 : i32
      scf.yield %scan3A_246 : i32
    }
    %scan3A_137 = arith.constant 16 : i32
    %scan3A_138 = arith.constant 0 : i32
    %scan3A_139 = arith.constant 0 : i32
    %scan3A_140 = arith.constant 16 : i32
    %scan3A_141 = arith.addi %scan3A_139, %scan3A_140 : i32
    %scan3A_142 = arith.constant 1 : i32
    %scan3A_143 = scf.for %scan3A_236 = %scan3A_139 to %scan3A_141 step %scan3A_142 iter_args(%scan3A_237 = %scan3A_138) -> (i32)  : i32 {
      %mul3A_238 = arith.constant 8 : i32
      %mul3A_239 = arith.muli %scan3A_236, %mul3A_238 : i32
      %add3A_240 = arith.constant 0 : i32
      %add3A_241 = arith.addi %mul3A_239, %add3A_240 : i32
      %mul3A_242 = arith.constant 16 : i32
      %mul3A_243 = arith.muli %add3A_241, %mul3A_242 : i32
      %get3A = arith.constant 9 : i32
      %get3A_244 = arith.index_cast %get3A : i32 to index
      %get3A_245 = arith.index_cast %mul3A_243 : i32 to index
      %get3A_246 = tpu.vector_load %arg4[%get3A_244, %get3A_245] {strides = array<i32>} : memref<16x2048xi32, #tpu.memory_space<vmem>>, vector<16xi32>,
      tpu.vector_store_idx %arg5[%get3A_246], %broadcast_in_dim3A_3 {add = true} : memref<256xf32, #tpu.memory_space<vmem>>[vector<16xi32>], vector<16xf32>,
      %mul3A_247 = arith.constant 8 : i32
      %mul3A_248 = arith.muli %scan3A_236, %mul3A_247 : i32
      %add3A_249 = arith.constant 1 : i32
      %add3A_250 = arith.addi %mul3A_248, %add3A_249 : i32
      %mul3A_251 = arith.constant 16 : i32
      %mul3A_252 = arith.muli %add3A_250, %mul3A_251 : i32
      %get3A_253 = arith.constant 9 : i32
      %get3A_254 = arith.index_cast %get3A_253 : i32 to index
      %get3A_255 = arith.index_cast %mul3A_252 : i32 to index
      %get3A_256 = tpu.vector_load %arg4[%get3A_254, %get3A_255] {strides = array<i32>} : memref<16x2048xi32, #tpu.memory_space<vmem>>, vector<16xi32>,
      tpu.vector_store_idx %arg5[%get3A_256], %broadcast_in_dim3A_3 {add = true} : memref<256xf32, #tpu.memory_space<vmem>>[vector<16xi32>], vector<16xf32>,
      %mul3A_257 = arith.constant 8 : i32
      %mul3A_258 = arith.muli %scan3A_236, %mul3A_257 : i32
      %add3A_259 = arith.constant 2 : i32
      %add3A_260 = arith.addi %mul3A_258, %add3A_259 : i32
      %mul3A_261 = arith.constant 16 : i32
      %mul3A_262 = arith.muli %add3A_260, %mul3A_261 : i32
      %get3A_263 = arith.constant 9 : i32
      %get3A_264 = arith.index_cast %get3A_263 : i32 to index
      %get3A_265 = arith.index_cast %mul3A_262 : i32 to index
      %get3A_266 = tpu.vector_load %arg4[%get3A_264, %get3A_265] {strides = array<i32>} : memref<16x2048xi32, #tpu.memory_space<vmem>>, vector<16xi32>,
      tpu.vector_store_idx %arg5[%get3A_266], %broadcast_in_dim3A_3 {add = true} : memref<256xf32, #tpu.memory_space<vmem>>[vector<16xi32>], vector<16xf32>,
      %mul3A_267 = arith.constant 8 : i32
      %mul3A_268 = arith.muli %scan3A_236, %mul3A_267 : i32
      %add3A_269 = arith.constant 3 : i32
      %add3A_270 = arith.addi %mul3A_268, %add3A_269 : i32
      %mul3A_271 = arith.constant 16 : i32
      %mul3A_272 = arith.muli %add3A_270, %mul3A_271 : i32
      %get3A_273 = arith.constant 9 : i32
      %get3A_274 = arith.index_cast %get3A_273 : i32 to index
      %get3A_275 = arith.index_cast %mul3A_272 : i32 to index
      %get3A_276 = tpu.vector_load %arg4[%get3A_274, %get3A_275] {strides = array<i32>} : memref<16x2048xi32, #tpu.memory_space<vmem>>, vector<16xi32>,
      tpu.vector_store_idx %arg5[%get3A_276], %broadcast_in_dim3A_3 {add = true} : memref<256xf32, #tpu.memory_space<vmem>>[vector<16xi32>], vector<16xf32>,
      %mul3A_277 = arith.constant 8 : i32
      %mul3A_278 = arith.muli %scan3A_236, %mul3A_277 : i32
      %add3A_279 = arith.constant 4 : i32
      %add3A_280 = arith.addi %mul3A_278, %add3A_279 : i32
      %mul3A_281 = arith.constant 16 : i32
      %mul3A_282 = arith.muli %add3A_280, %mul3A_281 : i32
      %get3A_283 = arith.constant 9 : i32
      %get3A_284 = arith.index_cast %get3A_283 : i32 to index
      %get3A_285 = arith.index_cast %mul3A_282 : i32 to index
      %get3A_286 = tpu.vector_load %arg4[%get3A_284, %get3A_285] {strides = array<i32>} : memref<16x2048xi32, #tpu.memory_space<vmem>>, vector<16xi32>,
      tpu.vector_store_idx %arg5[%get3A_286], %broadcast_in_dim3A_3 {add = true} : memref<256xf32, #tpu.memory_space<vmem>>[vector<16xi32>], vector<16xf32>,
      %mul3A_287 = arith.constant 8 : i32
      %mul3A_288 = arith.muli %scan3A_236, %mul3A_287 : i32
      %add3A_289 = arith.constant 5 : i32
      %add3A_290 = arith.addi %mul3A_288, %add3A_289 : i32
      %mul3A_291 = arith.constant 16 : i32
      %mul3A_292 = arith.muli %add3A_290, %mul3A_291 : i32
      %get3A_293 = arith.constant 9 : i32
      %get3A_294 = arith.index_cast %get3A_293 : i32 to index
      %get3A_295 = arith.index_cast %mul3A_292 : i32 to index
      %get3A_296 = tpu.vector_load %arg4[%get3A_294, %get3A_295] {strides = array<i32>} : memref<16x2048xi32, #tpu.memory_space<vmem>>, vector<16xi32>,
      tpu.vector_store_idx %arg5[%get3A_296], %broadcast_in_dim3A_3 {add = true} : memref<256xf32, #tpu.memory_space<vmem>>[vector<16xi32>], vector<16xf32>,
      %mul3A_297 = arith.constant 8 : i32
      %mul3A_298 = arith.muli %scan3A_236, %mul3A_297 : i32
      %add3A_299 = arith.constant 6 : i32
      %add3A_300 = arith.addi %mul3A_298, %add3A_299 : i32
      %mul3A_301 = arith.constant 16 : i32
      %mul3A_302 = arith.muli %add3A_300, %mul3A_301 : i32
      %get3A_303 = arith.constant 9 : i32
      %get3A_304 = arith.index_cast %get3A_303 : i32 to index
      %get3A_305 = arith.index_cast %mul3A_302 : i32 to index
      %get3A_306 = tpu.vector_load %arg4[%get3A_304, %get3A_305] {strides = array<i32>} : memref<16x2048xi32, #tpu.memory_space<vmem>>, vector<16xi32>,
      tpu.vector_store_idx %arg5[%get3A_306], %broadcast_in_dim3A_3 {add = true} : memref<256xf32, #tpu.memory_space<vmem>>[vector<16xi32>], vector<16xf32>,
      %mul3A_307 = arith.constant 8 : i32
      %mul3A_308 = arith.muli %scan3A_236, %mul3A_307 : i32
      %add3A_309 = arith.constant 7 : i32
      %add3A_310 = arith.addi %mul3A_308, %add3A_309 : i32
      %mul3A_311 = arith.constant 16 : i32
      %mul3A_312 = arith.muli %add3A_310, %mul3A_311 : i32
      %get3A_313 = arith.constant 9 : i32
      %get3A_314 = arith.index_cast %get3A_313 : i32 to index
      %get3A_315 = arith.index_cast %mul3A_312 : i32 to index
      %get3A_316 = tpu.vector_load %arg4[%get3A_314, %get3A_315] {strides = array<i32>} : memref<16x2048xi32, #tpu.memory_space<vmem>>, vector<16xi32>,
      tpu.vector_store_idx %arg5[%get3A_316], %broadcast_in_dim3A_3 {add = true} : memref<256xf32, #tpu.memory_space<vmem>>[vector<16xi32>], vector<16xf32>,
      %scan3A_317 = arith.constant 0 : i32
      scf.yield %scan3A_317 : i32
    }
    %scan3A_144 = arith.constant 16 : i32
    %scan3A_145 = arith.constant 0 : i32
    %scan3A_146 = arith.constant 0 : i32
    %scan3A_147 = arith.constant 16 : i32
    %scan3A_148 = arith.addi %scan3A_146, %scan3A_147 : i32
    %scan3A_149 = arith.constant 1 : i32
    %scan3A_150 = scf.for %scan3A_236 = %scan3A_146 to %scan3A_148 step %scan3A_149 iter_args(%scan3A_237 = %scan3A_145) -> (i32)  : i32 {
      %mul3A_238 = arith.constant 16 : i32
      %mul3A_239 = arith.muli %scan3A_236, %mul3A_238 : i32
      %get3A = arith.index_cast %mul3A_239 : i32 to index
      %get3A_240 = tpu.vector_load %arg5[%get3A] {strides = array<i32>} : memref<256xf32, #tpu.memory_space<vmem>>, vector<16xf32>,
      %swap3A = arith.constant 9 : i32
      %swap3A_241 = arith.index_cast %swap3A : i32 to index
      %swap3A_242 = arith.index_cast %mul3A_239 : i32 to index
      %swap3A_243 = tpu.vector_load %arg6[%swap3A_241, %swap3A_242] {strides = array<i32>} : memref<16x256xf32, #tpu.memory_space<vmem>>, vector<16xf32>,
      tpu.vector_store %arg6[%swap3A_241, %swap3A_242], %get3A_240 {strides = array<i32>} : memref<16x256xf32, #tpu.memory_space<vmem>>, vector<16xf32>,
      %swap3A_244 = arith.index_cast %mul3A_239 : i32 to index
      %swap3A_245 = tpu.vector_load %arg5[%swap3A_244] {strides = array<i32>} : memref<256xf32, #tpu.memory_space<vmem>>, vector<16xf32>,
      tpu.vector_store %arg5[%swap3A_244], %broadcast_in_dim3A_5 {strides = array<i32>} : memref<256xf32, #tpu.memory_space<vmem>>, vector<16xf32>,
      %scan3A_246 = arith.constant 0 : i32
      scf.yield %scan3A_246 : i32
    }
    %scan3A_151 = arith.constant 16 : i32
    %scan3A_152 = arith.constant 0 : i32
    %scan3A_153 = arith.constant 0 : i32
    %scan3A_154 = arith.constant 16 : i32
    %scan3A_155 = arith.addi %scan3A_153, %scan3A_154 : i32
    %scan3A_156 = arith.constant 1 : i32
    %scan3A_157 = scf.for %scan3A_236 = %scan3A_153 to %scan3A_155 step %scan3A_156 iter_args(%scan3A_237 = %scan3A_152) -> (i32)  : i32 {
      %mul3A_238 = arith.constant 8 : i32
      %mul3A_239 = arith.muli %scan3A_236, %mul3A_238 : i32
      %add3A_240 = arith.constant 0 : i32
      %add3A_241 = arith.addi %mul3A_239, %add3A_240 : i32
      %mul3A_242 = arith.constant 16 : i32
      %mul3A_243 = arith.muli %add3A_241, %mul3A_242 : i32
      %get3A = arith.constant 10 : i32
      %get3A_244 = arith.index_cast %get3A : i32 to index
      %get3A_245 = arith.index_cast %mul3A_243 : i32 to index
      %get3A_246 = tpu.vector_load %arg4[%get3A_244, %get3A_245] {strides = array<i32>} : memref<16x2048xi32, #tpu.memory_space<vmem>>, vector<16xi32>,
      tpu.vector_store_idx %arg5[%get3A_246], %broadcast_in_dim3A_3 {add = true} : memref<256xf32, #tpu.memory_space<vmem>>[vector<16xi32>], vector<16xf32>,
      %mul3A_247 = arith.constant 8 : i32
      %mul3A_248 = arith.muli %scan3A_236, %mul3A_247 : i32
      %add3A_249 = arith.constant 1 : i32
      %add3A_250 = arith.addi %mul3A_248, %add3A_249 : i32
      %mul3A_251 = arith.constant 16 : i32
      %mul3A_252 = arith.muli %add3A_250, %mul3A_251 : i32
      %get3A_253 = arith.constant 10 : i32
      %get3A_254 = arith.index_cast %get3A_253 : i32 to index
      %get3A_255 = arith.index_cast %mul3A_252 : i32 to index
      %get3A_256 = tpu.vector_load %arg4[%get3A_254, %get3A_255] {strides = array<i32>} : memref<16x2048xi32, #tpu.memory_space<vmem>>, vector<16xi32>,
      tpu.vector_store_idx %arg5[%get3A_256], %broadcast_in_dim3A_3 {add = true} : memref<256xf32, #tpu.memory_space<vmem>>[vector<16xi32>], vector<16xf32>,
      %mul3A_257 = arith.constant 8 : i32
      %mul3A_258 = arith.muli %scan3A_236, %mul3A_257 : i32
      %add3A_259 = arith.constant 2 : i32
      %add3A_260 = arith.addi %mul3A_258, %add3A_259 : i32
      %mul3A_261 = arith.constant 16 : i32
      %mul3A_262 = arith.muli %add3A_260, %mul3A_261 : i32
      %get3A_263 = arith.constant 10 : i32
      %get3A_264 = arith.index_cast %get3A_263 : i32 to index
      %get3A_265 = arith.index_cast %mul3A_262 : i32 to index
      %get3A_266 = tpu.vector_load %arg4[%get3A_264, %get3A_265] {strides = array<i32>} : memref<16x2048xi32, #tpu.memory_space<vmem>>, vector<16xi32>,
      tpu.vector_store_idx %arg5[%get3A_266], %broadcast_in_dim3A_3 {add = true} : memref<256xf32, #tpu.memory_space<vmem>>[vector<16xi32>], vector<16xf32>,
      %mul3A_267 = arith.constant 8 : i32
      %mul3A_268 = arith.muli %scan3A_236, %mul3A_267 : i32
      %add3A_269 = arith.constant 3 : i32
      %add3A_270 = arith.addi %mul3A_268, %add3A_269 : i32
      %mul3A_271 = arith.constant 16 : i32
      %mul3A_272 = arith.muli %add3A_270, %mul3A_271 : i32
      %get3A_273 = arith.constant 10 : i32
      %get3A_274 = arith.index_cast %get3A_273 : i32 to index
      %get3A_275 = arith.index_cast %mul3A_272 : i32 to index
      %get3A_276 = tpu.vector_load %arg4[%get3A_274, %get3A_275] {strides = array<i32>} : memref<16x2048xi32, #tpu.memory_space<vmem>>, vector<16xi32>,
      tpu.vector_store_idx %arg5[%get3A_276], %broadcast_in_dim3A_3 {add = true} : memref<256xf32, #tpu.memory_space<vmem>>[vector<16xi32>], vector<16xf32>,
      %mul3A_277 = arith.constant 8 : i32
      %mul3A_278 = arith.muli %scan3A_236, %mul3A_277 : i32
      %add3A_279 = arith.constant 4 : i32
      %add3A_280 = arith.addi %mul3A_278, %add3A_279 : i32
      %mul3A_281 = arith.constant 16 : i32
      %mul3A_282 = arith.muli %add3A_280, %mul3A_281 : i32
      %get3A_283 = arith.constant 10 : i32
      %get3A_284 = arith.index_cast %get3A_283 : i32 to index
      %get3A_285 = arith.index_cast %mul3A_282 : i32 to index
      %get3A_286 = tpu.vector_load %arg4[%get3A_284, %get3A_285] {strides = array<i32>} : memref<16x2048xi32, #tpu.memory_space<vmem>>, vector<16xi32>,
      tpu.vector_store_idx %arg5[%get3A_286], %broadcast_in_dim3A_3 {add = true} : memref<256xf32, #tpu.memory_space<vmem>>[vector<16xi32>], vector<16xf32>,
      %mul3A_287 = arith.constant 8 : i32
      %mul3A_288 = arith.muli %scan3A_236, %mul3A_287 : i32
      %add3A_289 = arith.constant 5 : i32
      %add3A_290 = arith.addi %mul3A_288, %add3A_289 : i32
      %mul3A_291 = arith.constant 16 : i32
      %mul3A_292 = arith.muli %add3A_290, %mul3A_291 : i32
      %get3A_293 = arith.constant 10 : i32
      %get3A_294 = arith.index_cast %get3A_293 : i32 to index
      %get3A_295 = arith.index_cast %mul3A_292 : i32 to index
      %get3A_296 = tpu.vector_load %arg4[%get3A_294, %get3A_295] {strides = array<i32>} : memref<16x2048xi32, #tpu.memory_space<vmem>>, vector<16xi32>,
      tpu.vector_store_idx %arg5[%get3A_296], %broadcast_in_dim3A_3 {add = true} : memref<256xf32, #tpu.memory_space<vmem>>[vector<16xi32>], vector<16xf32>,
      %mul3A_297 = arith.constant 8 : i32
      %mul3A_298 = arith.muli %scan3A_236, %mul3A_297 : i32
      %add3A_299 = arith.constant 6 : i32
      %add3A_300 = arith.addi %mul3A_298, %add3A_299 : i32
      %mul3A_301 = arith.constant 16 : i32
      %mul3A_302 = arith.muli %add3A_300, %mul3A_301 : i32
      %get3A_303 = arith.constant 10 : i32
      %get3A_304 = arith.index_cast %get3A_303 : i32 to index
      %get3A_305 = arith.index_cast %mul3A_302 : i32 to index
      %get3A_306 = tpu.vector_load %arg4[%get3A_304, %get3A_305] {strides = array<i32>} : memref<16x2048xi32, #tpu.memory_space<vmem>>, vector<16xi32>,
      tpu.vector_store_idx %arg5[%get3A_306], %broadcast_in_dim3A_3 {add = true} : memref<256xf32, #tpu.memory_space<vmem>>[vector<16xi32>], vector<16xf32>,
      %mul3A_307 = arith.constant 8 : i32
      %mul3A_308 = arith.muli %scan3A_236, %mul3A_307 : i32
      %add3A_309 = arith.constant 7 : i32
      %add3A_310 = arith.addi %mul3A_308, %add3A_309 : i32
      %mul3A_311 = arith.constant 16 : i32
      %mul3A_312 = arith.muli %add3A_310, %mul3A_311 : i32
      %get3A_313 = arith.constant 10 : i32
      %get3A_314 = arith.index_cast %get3A_313 : i32 to index
      %get3A_315 = arith.index_cast %mul3A_312 : i32 to index
      %get3A_316 = tpu.vector_load %arg4[%get3A_314, %get3A_315] {strides = array<i32>} : memref<16x2048xi32, #tpu.memory_space<vmem>>, vector<16xi32>,
      tpu.vector_store_idx %arg5[%get3A_316], %broadcast_in_dim3A_3 {add = true} : memref<256xf32, #tpu.memory_space<vmem>>[vector<16xi32>], vector<16xf32>,
      %scan3A_317 = arith.constant 0 : i32
      scf.yield %scan3A_317 : i32
    }
    %scan3A_158 = arith.constant 16 : i32
    %scan3A_159 = arith.constant 0 : i32
    %scan3A_160 = arith.constant 0 : i32
    %scan3A_161 = arith.constant 16 : i32
    %scan3A_162 = arith.addi %scan3A_160, %scan3A_161 : i32
    %scan3A_163 = arith.constant 1 : i32
    %scan3A_164 = scf.for %scan3A_236 = %scan3A_160 to %scan3A_162 step %scan3A_163 iter_args(%scan3A_237 = %scan3A_159) -> (i32)  : i32 {
      %mul3A_238 = arith.constant 16 : i32
      %mul3A_239 = arith.muli %scan3A_236, %mul3A_238 : i32
      %get3A = arith.index_cast %mul3A_239 : i32 to index
      %get3A_240 = tpu.vector_load %arg5[%get3A] {strides = array<i32>} : memref<256xf32, #tpu.memory_space<vmem>>, vector<16xf32>,
      %swap3A = arith.constant 10 : i32
      %swap3A_241 = arith.index_cast %swap3A : i32 to index
      %swap3A_242 = arith.index_cast %mul3A_239 : i32 to index
      %swap3A_243 = tpu.vector_load %arg6[%swap3A_241, %swap3A_242] {strides = array<i32>} : memref<16x256xf32, #tpu.memory_space<vmem>>, vector<16xf32>,
      tpu.vector_store %arg6[%swap3A_241, %swap3A_242], %get3A_240 {strides = array<i32>} : memref<16x256xf32, #tpu.memory_space<vmem>>, vector<16xf32>,
      %swap3A_244 = arith.index_cast %mul3A_239 : i32 to index
      %swap3A_245 = tpu.vector_load %arg5[%swap3A_244] {strides = array<i32>} : memref<256xf32, #tpu.memory_space<vmem>>, vector<16xf32>,
      tpu.vector_store %arg5[%swap3A_244], %broadcast_in_dim3A_5 {strides = array<i32>} : memref<256xf32, #tpu.memory_space<vmem>>, vector<16xf32>,
      %scan3A_246 = arith.constant 0 : i32
      scf.yield %scan3A_246 : i32
    }
    %scan3A_165 = arith.constant 16 : i32
    %scan3A_166 = arith.constant 0 : i32
    %scan3A_167 = arith.constant 0 : i32
    %scan3A_168 = arith.constant 16 : i32
    %scan3A_169 = arith.addi %scan3A_167, %scan3A_168 : i32
    %scan3A_170 = arith.constant 1 : i32
    %scan3A_171 = scf.for %scan3A_236 = %scan3A_167 to %scan3A_169 step %scan3A_170 iter_args(%scan3A_237 = %scan3A_166) -> (i32)  : i32 {
      %mul3A_238 = arith.constant 8 : i32
      %mul3A_239 = arith.muli %scan3A_236, %mul3A_238 : i32
      %add3A_240 = arith.constant 0 : i32
      %add3A_241 = arith.addi %mul3A_239, %add3A_240 : i32
      %mul3A_242 = arith.constant 16 : i32
      %mul3A_243 = arith.muli %add3A_241, %mul3A_242 : i32
      %get3A = arith.constant 11 : i32
      %get3A_244 = arith.index_cast %get3A : i32 to index
      %get3A_245 = arith.index_cast %mul3A_243 : i32 to index
      %get3A_246 = tpu.vector_load %arg4[%get3A_244, %get3A_245] {strides = array<i32>} : memref<16x2048xi32, #tpu.memory_space<vmem>>, vector<16xi32>,
      tpu.vector_store_idx %arg5[%get3A_246], %broadcast_in_dim3A_3 {add = true} : memref<256xf32, #tpu.memory_space<vmem>>[vector<16xi32>], vector<16xf32>,
      %mul3A_247 = arith.constant 8 : i32
      %mul3A_248 = arith.muli %scan3A_236, %mul3A_247 : i32
      %add3A_249 = arith.constant 1 : i32
      %add3A_250 = arith.addi %mul3A_248, %add3A_249 : i32
      %mul3A_251 = arith.constant 16 : i32
      %mul3A_252 = arith.muli %add3A_250, %mul3A_251 : i32
      %get3A_253 = arith.constant 11 : i32
      %get3A_254 = arith.index_cast %get3A_253 : i32 to index
      %get3A_255 = arith.index_cast %mul3A_252 : i32 to index
      %get3A_256 = tpu.vector_load %arg4[%get3A_254, %get3A_255] {strides = array<i32>} : memref<16x2048xi32, #tpu.memory_space<vmem>>, vector<16xi32>,
      tpu.vector_store_idx %arg5[%get3A_256], %broadcast_in_dim3A_3 {add = true} : memref<256xf32, #tpu.memory_space<vmem>>[vector<16xi32>], vector<16xf32>,
      %mul3A_257 = arith.constant 8 : i32
      %mul3A_258 = arith.muli %scan3A_236, %mul3A_257 : i32
      %add3A_259 = arith.constant 2 : i32
      %add3A_260 = arith.addi %mul3A_258, %add3A_259 : i32
      %mul3A_261 = arith.constant 16 : i32
      %mul3A_262 = arith.muli %add3A_260, %mul3A_261 : i32
      %get3A_263 = arith.constant 11 : i32
      %get3A_264 = arith.index_cast %get3A_263 : i32 to index
      %get3A_265 = arith.index_cast %mul3A_262 : i32 to index
      %get3A_266 = tpu.vector_load %arg4[%get3A_264, %get3A_265] {strides = array<i32>} : memref<16x2048xi32, #tpu.memory_space<vmem>>, vector<16xi32>,
      tpu.vector_store_idx %arg5[%get3A_266], %broadcast_in_dim3A_3 {add = true} : memref<256xf32, #tpu.memory_space<vmem>>[vector<16xi32>], vector<16xf32>,
      %mul3A_267 = arith.constant 8 : i32
      %mul3A_268 = arith.muli %scan3A_236, %mul3A_267 : i32
      %add3A_269 = arith.constant 3 : i32
      %add3A_270 = arith.addi %mul3A_268, %add3A_269 : i32
      %mul3A_271 = arith.constant 16 : i32
      %mul3A_272 = arith.muli %add3A_270, %mul3A_271 : i32
      %get3A_273 = arith.constant 11 : i32
      %get3A_274 = arith.index_cast %get3A_273 : i32 to index
      %get3A_275 = arith.index_cast %mul3A_272 : i32 to index
      %get3A_276 = tpu.vector_load %arg4[%get3A_274, %get3A_275] {strides = array<i32>} : memref<16x2048xi32, #tpu.memory_space<vmem>>, vector<16xi32>,
      tpu.vector_store_idx %arg5[%get3A_276], %broadcast_in_dim3A_3 {add = true} : memref<256xf32, #tpu.memory_space<vmem>>[vector<16xi32>], vector<16xf32>,
      %mul3A_277 = arith.constant 8 : i32
      %mul3A_278 = arith.muli %scan3A_236, %mul3A_277 : i32
      %add3A_279 = arith.constant 4 : i32
      %add3A_280 = arith.addi %mul3A_278, %add3A_279 : i32
      %mul3A_281 = arith.constant 16 : i32
      %mul3A_282 = arith.muli %add3A_280, %mul3A_281 : i32
      %get3A_283 = arith.constant 11 : i32
      %get3A_284 = arith.index_cast %get3A_283 : i32 to index
      %get3A_285 = arith.index_cast %mul3A_282 : i32 to index
      %get3A_286 = tpu.vector_load %arg4[%get3A_284, %get3A_285] {strides = array<i32>} : memref<16x2048xi32, #tpu.memory_space<vmem>>, vector<16xi32>,
      tpu.vector_store_idx %arg5[%get3A_286], %broadcast_in_dim3A_3 {add = true} : memref<256xf32, #tpu.memory_space<vmem>>[vector<16xi32>], vector<16xf32>,
      %mul3A_287 = arith.constant 8 : i32
      %mul3A_288 = arith.muli %scan3A_236, %mul3A_287 : i32
      %add3A_289 = arith.constant 5 : i32
      %add3A_290 = arith.addi %mul3A_288, %add3A_289 : i32
      %mul3A_291 = arith.constant 16 : i32
      %mul3A_292 = arith.muli %add3A_290, %mul3A_291 : i32
      %get3A_293 = arith.constant 11 : i32
      %get3A_294 = arith.index_cast %get3A_293 : i32 to index
      %get3A_295 = arith.index_cast %mul3A_292 : i32 to index
      %get3A_296 = tpu.vector_load %arg4[%get3A_294, %get3A_295] {strides = array<i32>} : memref<16x2048xi32, #tpu.memory_space<vmem>>, vector<16xi32>,
      tpu.vector_store_idx %arg5[%get3A_296], %broadcast_in_dim3A_3 {add = true} : memref<256xf32, #tpu.memory_space<vmem>>[vector<16xi32>], vector<16xf32>,
      %mul3A_297 = arith.constant 8 : i32
      %mul3A_298 = arith.muli %scan3A_236, %mul3A_297 : i32
      %add3A_299 = arith.constant 6 : i32
      %add3A_300 = arith.addi %mul3A_298, %add3A_299 : i32
      %mul3A_301 = arith.constant 16 : i32
      %mul3A_302 = arith.muli %add3A_300, %mul3A_301 : i32
      %get3A_303 = arith.constant 11 : i32
      %get3A_304 = arith.index_cast %get3A_303 : i32 to index
      %get3A_305 = arith.index_cast %mul3A_302 : i32 to index
      %get3A_306 = tpu.vector_load %arg4[%get3A_304, %get3A_305] {strides = array<i32>} : memref<16x2048xi32, #tpu.memory_space<vmem>>, vector<16xi32>,
      tpu.vector_store_idx %arg5[%get3A_306], %broadcast_in_dim3A_3 {add = true} : memref<256xf32, #tpu.memory_space<vmem>>[vector<16xi32>], vector<16xf32>,
      %mul3A_307 = arith.constant 8 : i32
      %mul3A_308 = arith.muli %scan3A_236, %mul3A_307 : i32
      %add3A_309 = arith.constant 7 : i32
      %add3A_310 = arith.addi %mul3A_308, %add3A_309 : i32
      %mul3A_311 = arith.constant 16 : i32
      %mul3A_312 = arith.muli %add3A_310, %mul3A_311 : i32
      %get3A_313 = arith.constant 11 : i32
      %get3A_314 = arith.index_cast %get3A_313 : i32 to index
      %get3A_315 = arith.index_cast %mul3A_312 : i32 to index
      %get3A_316 = tpu.vector_load %arg4[%get3A_314, %get3A_315] {strides = array<i32>} : memref<16x2048xi32, #tpu.memory_space<vmem>>, vector<16xi32>,
      tpu.vector_store_idx %arg5[%get3A_316], %broadcast_in_dim3A_3 {add = true} : memref<256xf32, #tpu.memory_space<vmem>>[vector<16xi32>], vector<16xf32>,
      %scan3A_317 = arith.constant 0 : i32
      scf.yield %scan3A_317 : i32
    }
    %scan3A_172 = arith.constant 16 : i32
    %scan3A_173 = arith.constant 0 : i32
    %scan3A_174 = arith.constant 0 : i32
    %scan3A_175 = arith.constant 16 : i32
    %scan3A_176 = arith.addi %scan3A_174, %scan3A_175 : i32
    %scan3A_177 = arith.constant 1 : i32
    %scan3A_178 = scf.for %scan3A_236 = %scan3A_174 to %scan3A_176 step %scan3A_177 iter_args(%scan3A_237 = %scan3A_173) -> (i32)  : i32 {
      %mul3A_238 = arith.constant 16 : i32
      %mul3A_239 = arith.muli %scan3A_236, %mul3A_238 : i32
      %get3A = arith.index_cast %mul3A_239 : i32 to index
      %get3A_240 = tpu.vector_load %arg5[%get3A] {strides = array<i32>} : memref<256xf32, #tpu.memory_space<vmem>>, vector<16xf32>,
      %swap3A = arith.constant 11 : i32
      %swap3A_241 = arith.index_cast %swap3A : i32 to index
      %swap3A_242 = arith.index_cast %mul3A_239 : i32 to index
      %swap3A_243 = tpu.vector_load %arg6[%swap3A_241, %swap3A_242] {strides = array<i32>} : memref<16x256xf32, #tpu.memory_space<vmem>>, vector<16xf32>,
      tpu.vector_store %arg6[%swap3A_241, %swap3A_242], %get3A_240 {strides = array<i32>} : memref<16x256xf32, #tpu.memory_space<vmem>>, vector<16xf32>,
      %swap3A_244 = arith.index_cast %mul3A_239 : i32 to index
      %swap3A_245 = tpu.vector_load %arg5[%swap3A_244] {strides = array<i32>} : memref<256xf32, #tpu.memory_space<vmem>>, vector<16xf32>,
      tpu.vector_store %arg5[%swap3A_244], %broadcast_in_dim3A_5 {strides = array<i32>} : memref<256xf32, #tpu.memory_space<vmem>>, vector<16xf32>,
      %scan3A_246 = arith.constant 0 : i32
      scf.yield %scan3A_246 : i32
    }
    %scan3A_179 = arith.constant 16 : i32
    %scan3A_180 = arith.constant 0 : i32
    %scan3A_181 = arith.constant 0 : i32
    %scan3A_182 = arith.constant 16 : i32
    %scan3A_183 = arith.addi %scan3A_181, %scan3A_182 : i32
    %scan3A_184 = arith.constant 1 : i32
    %scan3A_185 = scf.for %scan3A_236 = %scan3A_181 to %scan3A_183 step %scan3A_184 iter_args(%scan3A_237 = %scan3A_180) -> (i32)  : i32 {
      %mul3A_238 = arith.constant 8 : i32
      %mul3A_239 = arith.muli %scan3A_236, %mul3A_238 : i32
      %add3A_240 = arith.constant 0 : i32
      %add3A_241 = arith.addi %mul3A_239, %add3A_240 : i32
      %mul3A_242 = arith.constant 16 : i32
      %mul3A_243 = arith.muli %add3A_241, %mul3A_242 : i32
      %get3A = arith.constant 12 : i32
      %get3A_244 = arith.index_cast %get3A : i32 to index
      %get3A_245 = arith.index_cast %mul3A_243 : i32 to index
      %get3A_246 = tpu.vector_load %arg4[%get3A_244, %get3A_245] {strides = array<i32>} : memref<16x2048xi32, #tpu.memory_space<vmem>>, vector<16xi32>,
      tpu.vector_store_idx %arg5[%get3A_246], %broadcast_in_dim3A_3 {add = true} : memref<256xf32, #tpu.memory_space<vmem>>[vector<16xi32>], vector<16xf32>,
      %mul3A_247 = arith.constant 8 : i32
      %mul3A_248 = arith.muli %scan3A_236, %mul3A_247 : i32
      %add3A_249 = arith.constant 1 : i32
      %add3A_250 = arith.addi %mul3A_248, %add3A_249 : i32
      %mul3A_251 = arith.constant 16 : i32
      %mul3A_252 = arith.muli %add3A_250, %mul3A_251 : i32
      %get3A_253 = arith.constant 12 : i32
      %get3A_254 = arith.index_cast %get3A_253 : i32 to index
      %get3A_255 = arith.index_cast %mul3A_252 : i32 to index
      %get3A_256 = tpu.vector_load %arg4[%get3A_254, %get3A_255] {strides = array<i32>} : memref<16x2048xi32, #tpu.memory_space<vmem>>, vector<16xi32>,
      tpu.vector_store_idx %arg5[%get3A_256], %broadcast_in_dim3A_3 {add = true} : memref<256xf32, #tpu.memory_space<vmem>>[vector<16xi32>], vector<16xf32>,
      %mul3A_257 = arith.constant 8 : i32
      %mul3A_258 = arith.muli %scan3A_236, %mul3A_257 : i32
      %add3A_259 = arith.constant 2 : i32
      %add3A_260 = arith.addi %mul3A_258, %add3A_259 : i32
      %mul3A_261 = arith.constant 16 : i32
      %mul3A_262 = arith.muli %add3A_260, %mul3A_261 : i32
      %get3A_263 = arith.constant 12 : i32
      %get3A_264 = arith.index_cast %get3A_263 : i32 to index
      %get3A_265 = arith.index_cast %mul3A_262 : i32 to index
      %get3A_266 = tpu.vector_load %arg4[%get3A_264, %get3A_265] {strides = array<i32>} : memref<16x2048xi32, #tpu.memory_space<vmem>>, vector<16xi32>,
      tpu.vector_store_idx %arg5[%get3A_266], %broadcast_in_dim3A_3 {add = true} : memref<256xf32, #tpu.memory_space<vmem>>[vector<16xi32>], vector<16xf32>,
      %mul3A_267 = arith.constant 8 : i32
      %mul3A_268 = arith.muli %scan3A_236, %mul3A_267 : i32
      %add3A_269 = arith.constant 3 : i32
      %add3A_270 = arith.addi %mul3A_268, %add3A_269 : i32
      %mul3A_271 = arith.constant 16 : i32
      %mul3A_272 = arith.muli %add3A_270, %mul3A_271 : i32
      %get3A_273 = arith.constant 12 : i32
      %get3A_274 = arith.index_cast %get3A_273 : i32 to index
      %get3A_275 = arith.index_cast %mul3A_272 : i32 to index
      %get3A_276 = tpu.vector_load %arg4[%get3A_274, %get3A_275] {strides = array<i32>} : memref<16x2048xi32, #tpu.memory_space<vmem>>, vector<16xi32>,
      tpu.vector_store_idx %arg5[%get3A_276], %broadcast_in_dim3A_3 {add = true} : memref<256xf32, #tpu.memory_space<vmem>>[vector<16xi32>], vector<16xf32>,
      %mul3A_277 = arith.constant 8 : i32
      %mul3A_278 = arith.muli %scan3A_236, %mul3A_277 : i32
      %add3A_279 = arith.constant 4 : i32
      %add3A_280 = arith.addi %mul3A_278, %add3A_279 : i32
      %mul3A_281 = arith.constant 16 : i32
      %mul3A_282 = arith.muli %add3A_280, %mul3A_281 : i32
      %get3A_283 = arith.constant 12 : i32
      %get3A_284 = arith.index_cast %get3A_283 : i32 to index
      %get3A_285 = arith.index_cast %mul3A_282 : i32 to index
      %get3A_286 = tpu.vector_load %arg4[%get3A_284, %get3A_285] {strides = array<i32>} : memref<16x2048xi32, #tpu.memory_space<vmem>>, vector<16xi32>,
      tpu.vector_store_idx %arg5[%get3A_286], %broadcast_in_dim3A_3 {add = true} : memref<256xf32, #tpu.memory_space<vmem>>[vector<16xi32>], vector<16xf32>,
      %mul3A_287 = arith.constant 8 : i32
      %mul3A_288 = arith.muli %scan3A_236, %mul3A_287 : i32
      %add3A_289 = arith.constant 5 : i32
      %add3A_290 = arith.addi %mul3A_288, %add3A_289 : i32
      %mul3A_291 = arith.constant 16 : i32
      %mul3A_292 = arith.muli %add3A_290, %mul3A_291 : i32
      %get3A_293 = arith.constant 12 : i32
      %get3A_294 = arith.index_cast %get3A_293 : i32 to index
      %get3A_295 = arith.index_cast %mul3A_292 : i32 to index
      %get3A_296 = tpu.vector_load %arg4[%get3A_294, %get3A_295] {strides = array<i32>} : memref<16x2048xi32, #tpu.memory_space<vmem>>, vector<16xi32>,
      tpu.vector_store_idx %arg5[%get3A_296], %broadcast_in_dim3A_3 {add = true} : memref<256xf32, #tpu.memory_space<vmem>>[vector<16xi32>], vector<16xf32>,
      %mul3A_297 = arith.constant 8 : i32
      %mul3A_298 = arith.muli %scan3A_236, %mul3A_297 : i32
      %add3A_299 = arith.constant 6 : i32
      %add3A_300 = arith.addi %mul3A_298, %add3A_299 : i32
      %mul3A_301 = arith.constant 16 : i32
      %mul3A_302 = arith.muli %add3A_300, %mul3A_301 : i32
      %get3A_303 = arith.constant 12 : i32
      %get3A_304 = arith.index_cast %get3A_303 : i32 to index
      %get3A_305 = arith.index_cast %mul3A_302 : i32 to index
      %get3A_306 = tpu.vector_load %arg4[%get3A_304, %get3A_305] {strides = array<i32>} : memref<16x2048xi32, #tpu.memory_space<vmem>>, vector<16xi32>,
      tpu.vector_store_idx %arg5[%get3A_306], %broadcast_in_dim3A_3 {add = true} : memref<256xf32, #tpu.memory_space<vmem>>[vector<16xi32>], vector<16xf32>,
      %mul3A_307 = arith.constant 8 : i32
      %mul3A_308 = arith.muli %scan3A_236, %mul3A_307 : i32
      %add3A_309 = arith.constant 7 : i32
      %add3A_310 = arith.addi %mul3A_308, %add3A_309 : i32
      %mul3A_311 = arith.constant 16 : i32
      %mul3A_312 = arith.muli %add3A_310, %mul3A_311 : i32
      %get3A_313 = arith.constant 12 : i32
      %get3A_314 = arith.index_cast %get3A_313 : i32 to index
      %get3A_315 = arith.index_cast %mul3A_312 : i32 to index
      %get3A_316 = tpu.vector_load %arg4[%get3A_314, %get3A_315] {strides = array<i32>} : memref<16x2048xi32, #tpu.memory_space<vmem>>, vector<16xi32>,
      tpu.vector_store_idx %arg5[%get3A_316], %broadcast_in_dim3A_3 {add = true} : memref<256xf32, #tpu.memory_space<vmem>>[vector<16xi32>], vector<16xf32>,
      %scan3A_317 = arith.constant 0 : i32
      scf.yield %scan3A_317 : i32
    }
    %scan3A_186 = arith.constant 16 : i32
    %scan3A_187 = arith.constant 0 : i32
    %scan3A_188 = arith.constant 0 : i32
    %scan3A_189 = arith.constant 16 : i32
    %scan3A_190 = arith.addi %scan3A_188, %scan3A_189 : i32
    %scan3A_191 = arith.constant 1 : i32
    %scan3A_192 = scf.for %scan3A_236 = %scan3A_188 to %scan3A_190 step %scan3A_191 iter_args(%scan3A_237 = %scan3A_187) -> (i32)  : i32 {
      %mul3A_238 = arith.constant 16 : i32
      %mul3A_239 = arith.muli %scan3A_236, %mul3A_238 : i32
      %get3A = arith.index_cast %mul3A_239 : i32 to index
      %get3A_240 = tpu.vector_load %arg5[%get3A] {strides = array<i32>} : memref<256xf32, #tpu.memory_space<vmem>>, vector<16xf32>,
      %swap3A = arith.constant 12 : i32
      %swap3A_241 = arith.index_cast %swap3A : i32 to index
      %swap3A_242 = arith.index_cast %mul3A_239 : i32 to index
      %swap3A_243 = tpu.vector_load %arg6[%swap3A_241, %swap3A_242] {strides = array<i32>} : memref<16x256xf32, #tpu.memory_space<vmem>>, vector<16xf32>,
      tpu.vector_store %arg6[%swap3A_241, %swap3A_242], %get3A_240 {strides = array<i32>} : memref<16x256xf32, #tpu.memory_space<vmem>>, vector<16xf32>,
      %swap3A_244 = arith.index_cast %mul3A_239 : i32 to index
      %swap3A_245 = tpu.vector_load %arg5[%swap3A_244] {strides = array<i32>} : memref<256xf32, #tpu.memory_space<vmem>>, vector<16xf32>,
      tpu.vector_store %arg5[%swap3A_244], %broadcast_in_dim3A_5 {strides = array<i32>} : memref<256xf32, #tpu.memory_space<vmem>>, vector<16xf32>,
      %scan3A_246 = arith.constant 0 : i32
      scf.yield %scan3A_246 : i32
    }
    %scan3A_193 = arith.constant 16 : i32
    %scan3A_194 = arith.constant 0 : i32
    %scan3A_195 = arith.constant 0 : i32
    %scan3A_196 = arith.constant 16 : i32
    %scan3A_197 = arith.addi %scan3A_195, %scan3A_196 : i32
    %scan3A_198 = arith.constant 1 : i32
    %scan3A_199 = scf.for %scan3A_236 = %scan3A_195 to %scan3A_197 step %scan3A_198 iter_args(%scan3A_237 = %scan3A_194) -> (i32)  : i32 {
      %mul3A_238 = arith.constant 8 : i32
      %mul3A_239 = arith.muli %scan3A_236, %mul3A_238 : i32
      %add3A_240 = arith.constant 0 : i32
      %add3A_241 = arith.addi %mul3A_239, %add3A_240 : i32
      %mul3A_242 = arith.constant 16 : i32
      %mul3A_243 = arith.muli %add3A_241, %mul3A_242 : i32
      %get3A = arith.constant 13 : i32
      %get3A_244 = arith.index_cast %get3A : i32 to index
      %get3A_245 = arith.index_cast %mul3A_243 : i32 to index
      %get3A_246 = tpu.vector_load %arg4[%get3A_244, %get3A_245] {strides = array<i32>} : memref<16x2048xi32, #tpu.memory_space<vmem>>, vector<16xi32>,
      tpu.vector_store_idx %arg5[%get3A_246], %broadcast_in_dim3A_3 {add = true} : memref<256xf32, #tpu.memory_space<vmem>>[vector<16xi32>], vector<16xf32>,
      %mul3A_247 = arith.constant 8 : i32
      %mul3A_248 = arith.muli %scan3A_236, %mul3A_247 : i32
      %add3A_249 = arith.constant 1 : i32
      %add3A_250 = arith.addi %mul3A_248, %add3A_249 : i32
      %mul3A_251 = arith.constant 16 : i32
      %mul3A_252 = arith.muli %add3A_250, %mul3A_251 : i32
      %get3A_253 = arith.constant 13 : i32
      %get3A_254 = arith.index_cast %get3A_253 : i32 to index
      %get3A_255 = arith.index_cast %mul3A_252 : i32 to index
      %get3A_256 = tpu.vector_load %arg4[%get3A_254, %get3A_255] {strides = array<i32>} : memref<16x2048xi32, #tpu.memory_space<vmem>>, vector<16xi32>,
      tpu.vector_store_idx %arg5[%get3A_256], %broadcast_in_dim3A_3 {add = true} : memref<256xf32, #tpu.memory_space<vmem>>[vector<16xi32>], vector<16xf32>,
      %mul3A_257 = arith.constant 8 : i32
      %mul3A_258 = arith.muli %scan3A_236, %mul3A_257 : i32
      %add3A_259 = arith.constant 2 : i32
      %add3A_260 = arith.addi %mul3A_258, %add3A_259 : i32
      %mul3A_261 = arith.constant 16 : i32
      %mul3A_262 = arith.muli %add3A_260, %mul3A_261 : i32
      %get3A_263 = arith.constant 13 : i32
      %get3A_264 = arith.index_cast %get3A_263 : i32 to index
      %get3A_265 = arith.index_cast %mul3A_262 : i32 to index
      %get3A_266 = tpu.vector_load %arg4[%get3A_264, %get3A_265] {strides = array<i32>} : memref<16x2048xi32, #tpu.memory_space<vmem>>, vector<16xi32>,
      tpu.vector_store_idx %arg5[%get3A_266], %broadcast_in_dim3A_3 {add = true} : memref<256xf32, #tpu.memory_space<vmem>>[vector<16xi32>], vector<16xf32>,
      %mul3A_267 = arith.constant 8 : i32
      %mul3A_268 = arith.muli %scan3A_236, %mul3A_267 : i32
      %add3A_269 = arith.constant 3 : i32
      %add3A_270 = arith.addi %mul3A_268, %add3A_269 : i32
      %mul3A_271 = arith.constant 16 : i32
      %mul3A_272 = arith.muli %add3A_270, %mul3A_271 : i32
      %get3A_273 = arith.constant 13 : i32
      %get3A_274 = arith.index_cast %get3A_273 : i32 to index
      %get3A_275 = arith.index_cast %mul3A_272 : i32 to index
      %get3A_276 = tpu.vector_load %arg4[%get3A_274, %get3A_275] {strides = array<i32>} : memref<16x2048xi32, #tpu.memory_space<vmem>>, vector<16xi32>,
      tpu.vector_store_idx %arg5[%get3A_276], %broadcast_in_dim3A_3 {add = true} : memref<256xf32, #tpu.memory_space<vmem>>[vector<16xi32>], vector<16xf32>,
      %mul3A_277 = arith.constant 8 : i32
      %mul3A_278 = arith.muli %scan3A_236, %mul3A_277 : i32
      %add3A_279 = arith.constant 4 : i32
      %add3A_280 = arith.addi %mul3A_278, %add3A_279 : i32
      %mul3A_281 = arith.constant 16 : i32
      %mul3A_282 = arith.muli %add3A_280, %mul3A_281 : i32
      %get3A_283 = arith.constant 13 : i32
      %get3A_284 = arith.index_cast %get3A_283 : i32 to index
      %get3A_285 = arith.index_cast %mul3A_282 : i32 to index
      %get3A_286 = tpu.vector_load %arg4[%get3A_284, %get3A_285] {strides = array<i32>} : memref<16x2048xi32, #tpu.memory_space<vmem>>, vector<16xi32>,
      tpu.vector_store_idx %arg5[%get3A_286], %broadcast_in_dim3A_3 {add = true} : memref<256xf32, #tpu.memory_space<vmem>>[vector<16xi32>], vector<16xf32>,
      %mul3A_287 = arith.constant 8 : i32
      %mul3A_288 = arith.muli %scan3A_236, %mul3A_287 : i32
      %add3A_289 = arith.constant 5 : i32
      %add3A_290 = arith.addi %mul3A_288, %add3A_289 : i32
      %mul3A_291 = arith.constant 16 : i32
      %mul3A_292 = arith.muli %add3A_290, %mul3A_291 : i32
      %get3A_293 = arith.constant 13 : i32
      %get3A_294 = arith.index_cast %get3A_293 : i32 to index
      %get3A_295 = arith.index_cast %mul3A_292 : i32 to index
      %get3A_296 = tpu.vector_load %arg4[%get3A_294, %get3A_295] {strides = array<i32>} : memref<16x2048xi32, #tpu.memory_space<vmem>>, vector<16xi32>,
      tpu.vector_store_idx %arg5[%get3A_296], %broadcast_in_dim3A_3 {add = true} : memref<256xf32, #tpu.memory_space<vmem>>[vector<16xi32>], vector<16xf32>,
      %mul3A_297 = arith.constant 8 : i32
      %mul3A_298 = arith.muli %scan3A_236, %mul3A_297 : i32
      %add3A_299 = arith.constant 6 : i32
      %add3A_300 = arith.addi %mul3A_298, %add3A_299 : i32
      %mul3A_301 = arith.constant 16 : i32
      %mul3A_302 = arith.muli %add3A_300, %mul3A_301 : i32
      %get3A_303 = arith.constant 13 : i32
      %get3A_304 = arith.index_cast %get3A_303 : i32 to index
      %get3A_305 = arith.index_cast %mul3A_302 : i32 to index
      %get3A_306 = tpu.vector_load %arg4[%get3A_304, %get3A_305] {strides = array<i32>} : memref<16x2048xi32, #tpu.memory_space<vmem>>, vector<16xi32>,
      tpu.vector_store_idx %arg5[%get3A_306], %broadcast_in_dim3A_3 {add = true} : memref<256xf32, #tpu.memory_space<vmem>>[vector<16xi32>], vector<16xf32>,
      %mul3A_307 = arith.constant 8 : i32
      %mul3A_308 = arith.muli %scan3A_236, %mul3A_307 : i32
      %add3A_309 = arith.constant 7 : i32
      %add3A_310 = arith.addi %mul3A_308, %add3A_309 : i32
      %mul3A_311 = arith.constant 16 : i32
      %mul3A_312 = arith.muli %add3A_310, %mul3A_311 : i32
      %get3A_313 = arith.constant 13 : i32
      %get3A_314 = arith.index_cast %get3A_313 : i32 to index
      %get3A_315 = arith.index_cast %mul3A_312 : i32 to index
      %get3A_316 = tpu.vector_load %arg4[%get3A_314, %get3A_315] {strides = array<i32>} : memref<16x2048xi32, #tpu.memory_space<vmem>>, vector<16xi32>,
      tpu.vector_store_idx %arg5[%get3A_316], %broadcast_in_dim3A_3 {add = true} : memref<256xf32, #tpu.memory_space<vmem>>[vector<16xi32>], vector<16xf32>,
      %scan3A_317 = arith.constant 0 : i32
      scf.yield %scan3A_317 : i32
    }
    %scan3A_200 = arith.constant 16 : i32
    %scan3A_201 = arith.constant 0 : i32
    %scan3A_202 = arith.constant 0 : i32
    %scan3A_203 = arith.constant 16 : i32
    %scan3A_204 = arith.addi %scan3A_202, %scan3A_203 : i32
    %scan3A_205 = arith.constant 1 : i32
    %scan3A_206 = scf.for %scan3A_236 = %scan3A_202 to %scan3A_204 step %scan3A_205 iter_args(%scan3A_237 = %scan3A_201) -> (i32)  : i32 {
      %mul3A_238 = arith.constant 16 : i32
      %mul3A_239 = arith.muli %scan3A_236, %mul3A_238 : i32
      %get3A = arith.index_cast %mul3A_239 : i32 to index
      %get3A_240 = tpu.vector_load %arg5[%get3A] {strides = array<i32>} : memref<256xf32, #tpu.memory_space<vmem>>, vector<16xf32>,
      %swap3A = arith.constant 13 : i32
      %swap3A_241 = arith.index_cast %swap3A : i32 to index
      %swap3A_242 = arith.index_cast %mul3A_239 : i32 to index
      %swap3A_243 = tpu.vector_load %arg6[%swap3A_241, %swap3A_242] {strides = array<i32>} : memref<16x256xf32, #tpu.memory_space<vmem>>, vector<16xf32>,
      tpu.vector_store %arg6[%swap3A_241, %swap3A_242], %get3A_240 {strides = array<i32>} : memref<16x256xf32, #tpu.memory_space<vmem>>, vector<16xf32>,
      %swap3A_244 = arith.index_cast %mul3A_239 : i32 to index
      %swap3A_245 = tpu.vector_load %arg5[%swap3A_244] {strides = array<i32>} : memref<256xf32, #tpu.memory_space<vmem>>, vector<16xf32>,
      tpu.vector_store %arg5[%swap3A_244], %broadcast_in_dim3A_5 {strides = array<i32>} : memref<256xf32, #tpu.memory_space<vmem>>, vector<16xf32>,
      %scan3A_246 = arith.constant 0 : i32
      scf.yield %scan3A_246 : i32
    }
    %scan3A_207 = arith.constant 16 : i32
    %scan3A_208 = arith.constant 0 : i32
    %scan3A_209 = arith.constant 0 : i32
    %scan3A_210 = arith.constant 16 : i32
    %scan3A_211 = arith.addi %scan3A_209, %scan3A_210 : i32
    %scan3A_212 = arith.constant 1 : i32
    %scan3A_213 = scf.for %scan3A_236 = %scan3A_209 to %scan3A_211 step %scan3A_212 iter_args(%scan3A_237 = %scan3A_208) -> (i32)  : i32 {
      %mul3A_238 = arith.constant 8 : i32
      %mul3A_239 = arith.muli %scan3A_236, %mul3A_238 : i32
      %add3A_240 = arith.constant 0 : i32
      %add3A_241 = arith.addi %mul3A_239, %add3A_240 : i32
      %mul3A_242 = arith.constant 16 : i32
      %mul3A_243 = arith.muli %add3A_241, %mul3A_242 : i32
      %get3A = arith.constant 14 : i32
      %get3A_244 = arith.index_cast %get3A : i32 to index
      %get3A_245 = arith.index_cast %mul3A_243 : i32 to index
      %get3A_246 = tpu.vector_load %arg4[%get3A_244, %get3A_245] {strides = array<i32>} : memref<16x2048xi32, #tpu.memory_space<vmem>>, vector<16xi32>,
      tpu.vector_store_idx %arg5[%get3A_246], %broadcast_in_dim3A_3 {add = true} : memref<256xf32, #tpu.memory_space<vmem>>[vector<16xi32>], vector<16xf32>,
      %mul3A_247 = arith.constant 8 : i32
      %mul3A_248 = arith.muli %scan3A_236, %mul3A_247 : i32
      %add3A_249 = arith.constant 1 : i32
      %add3A_250 = arith.addi %mul3A_248, %add3A_249 : i32
      %mul3A_251 = arith.constant 16 : i32
      %mul3A_252 = arith.muli %add3A_250, %mul3A_251 : i32
      %get3A_253 = arith.constant 14 : i32
      %get3A_254 = arith.index_cast %get3A_253 : i32 to index
      %get3A_255 = arith.index_cast %mul3A_252 : i32 to index
      %get3A_256 = tpu.vector_load %arg4[%get3A_254, %get3A_255] {strides = array<i32>} : memref<16x2048xi32, #tpu.memory_space<vmem>>, vector<16xi32>,
      tpu.vector_store_idx %arg5[%get3A_256], %broadcast_in_dim3A_3 {add = true} : memref<256xf32, #tpu.memory_space<vmem>>[vector<16xi32>], vector<16xf32>,
      %mul3A_257 = arith.constant 8 : i32
      %mul3A_258 = arith.muli %scan3A_236, %mul3A_257 : i32
      %add3A_259 = arith.constant 2 : i32
      %add3A_260 = arith.addi %mul3A_258, %add3A_259 : i32
      %mul3A_261 = arith.constant 16 : i32
      %mul3A_262 = arith.muli %add3A_260, %mul3A_261 : i32
      %get3A_263 = arith.constant 14 : i32
      %get3A_264 = arith.index_cast %get3A_263 : i32 to index
      %get3A_265 = arith.index_cast %mul3A_262 : i32 to index
      %get3A_266 = tpu.vector_load %arg4[%get3A_264, %get3A_265] {strides = array<i32>} : memref<16x2048xi32, #tpu.memory_space<vmem>>, vector<16xi32>,
      tpu.vector_store_idx %arg5[%get3A_266], %broadcast_in_dim3A_3 {add = true} : memref<256xf32, #tpu.memory_space<vmem>>[vector<16xi32>], vector<16xf32>,
      %mul3A_267 = arith.constant 8 : i32
      %mul3A_268 = arith.muli %scan3A_236, %mul3A_267 : i32
      %add3A_269 = arith.constant 3 : i32
      %add3A_270 = arith.addi %mul3A_268, %add3A_269 : i32
      %mul3A_271 = arith.constant 16 : i32
      %mul3A_272 = arith.muli %add3A_270, %mul3A_271 : i32
      %get3A_273 = arith.constant 14 : i32
      %get3A_274 = arith.index_cast %get3A_273 : i32 to index
      %get3A_275 = arith.index_cast %mul3A_272 : i32 to index
      %get3A_276 = tpu.vector_load %arg4[%get3A_274, %get3A_275] {strides = array<i32>} : memref<16x2048xi32, #tpu.memory_space<vmem>>, vector<16xi32>,
      tpu.vector_store_idx %arg5[%get3A_276], %broadcast_in_dim3A_3 {add = true} : memref<256xf32, #tpu.memory_space<vmem>>[vector<16xi32>], vector<16xf32>,
      %mul3A_277 = arith.constant 8 : i32
      %mul3A_278 = arith.muli %scan3A_236, %mul3A_277 : i32
      %add3A_279 = arith.constant 4 : i32
      %add3A_280 = arith.addi %mul3A_278, %add3A_279 : i32
      %mul3A_281 = arith.constant 16 : i32
      %mul3A_282 = arith.muli %add3A_280, %mul3A_281 : i32
      %get3A_283 = arith.constant 14 : i32
      %get3A_284 = arith.index_cast %get3A_283 : i32 to index
      %get3A_285 = arith.index_cast %mul3A_282 : i32 to index
      %get3A_286 = tpu.vector_load %arg4[%get3A_284, %get3A_285] {strides = array<i32>} : memref<16x2048xi32, #tpu.memory_space<vmem>>, vector<16xi32>,
      tpu.vector_store_idx %arg5[%get3A_286], %broadcast_in_dim3A_3 {add = true} : memref<256xf32, #tpu.memory_space<vmem>>[vector<16xi32>], vector<16xf32>,
      %mul3A_287 = arith.constant 8 : i32
      %mul3A_288 = arith.muli %scan3A_236, %mul3A_287 : i32
      %add3A_289 = arith.constant 5 : i32
      %add3A_290 = arith.addi %mul3A_288, %add3A_289 : i32
      %mul3A_291 = arith.constant 16 : i32
      %mul3A_292 = arith.muli %add3A_290, %mul3A_291 : i32
      %get3A_293 = arith.constant 14 : i32
      %get3A_294 = arith.index_cast %get3A_293 : i32 to index
      %get3A_295 = arith.index_cast %mul3A_292 : i32 to index
      %get3A_296 = tpu.vector_load %arg4[%get3A_294, %get3A_295] {strides = array<i32>} : memref<16x2048xi32, #tpu.memory_space<vmem>>, vector<16xi32>,
      tpu.vector_store_idx %arg5[%get3A_296], %broadcast_in_dim3A_3 {add = true} : memref<256xf32, #tpu.memory_space<vmem>>[vector<16xi32>], vector<16xf32>,
      %mul3A_297 = arith.constant 8 : i32
      %mul3A_298 = arith.muli %scan3A_236, %mul3A_297 : i32
      %add3A_299 = arith.constant 6 : i32
      %add3A_300 = arith.addi %mul3A_298, %add3A_299 : i32
      %mul3A_301 = arith.constant 16 : i32
      %mul3A_302 = arith.muli %add3A_300, %mul3A_301 : i32
      %get3A_303 = arith.constant 14 : i32
      %get3A_304 = arith.index_cast %get3A_303 : i32 to index
      %get3A_305 = arith.index_cast %mul3A_302 : i32 to index
      %get3A_306 = tpu.vector_load %arg4[%get3A_304, %get3A_305] {strides = array<i32>} : memref<16x2048xi32, #tpu.memory_space<vmem>>, vector<16xi32>,
      tpu.vector_store_idx %arg5[%get3A_306], %broadcast_in_dim3A_3 {add = true} : memref<256xf32, #tpu.memory_space<vmem>>[vector<16xi32>], vector<16xf32>,
      %mul3A_307 = arith.constant 8 : i32
      %mul3A_308 = arith.muli %scan3A_236, %mul3A_307 : i32
      %add3A_309 = arith.constant 7 : i32
      %add3A_310 = arith.addi %mul3A_308, %add3A_309 : i32
      %mul3A_311 = arith.constant 16 : i32
      %mul3A_312 = arith.muli %add3A_310, %mul3A_311 : i32
      %get3A_313 = arith.constant 14 : i32
      %get3A_314 = arith.index_cast %get3A_313 : i32 to index
      %get3A_315 = arith.index_cast %mul3A_312 : i32 to index
      %get3A_316 = tpu.vector_load %arg4[%get3A_314, %get3A_315] {strides = array<i32>} : memref<16x2048xi32, #tpu.memory_space<vmem>>, vector<16xi32>,
      tpu.vector_store_idx %arg5[%get3A_316], %broadcast_in_dim3A_3 {add = true} : memref<256xf32, #tpu.memory_space<vmem>>[vector<16xi32>], vector<16xf32>,
      %scan3A_317 = arith.constant 0 : i32
      scf.yield %scan3A_317 : i32
    }
    %scan3A_214 = arith.constant 16 : i32
    %scan3A_215 = arith.constant 0 : i32
    %scan3A_216 = arith.constant 0 : i32
    %scan3A_217 = arith.constant 16 : i32
    %scan3A_218 = arith.addi %scan3A_216, %scan3A_217 : i32
    %scan3A_219 = arith.constant 1 : i32
    %scan3A_220 = scf.for %scan3A_236 = %scan3A_216 to %scan3A_218 step %scan3A_219 iter_args(%scan3A_237 = %scan3A_215) -> (i32)  : i32 {
      %mul3A_238 = arith.constant 16 : i32
      %mul3A_239 = arith.muli %scan3A_236, %mul3A_238 : i32
      %get3A = arith.index_cast %mul3A_239 : i32 to index
      %get3A_240 = tpu.vector_load %arg5[%get3A] {strides = array<i32>} : memref<256xf32, #tpu.memory_space<vmem>>, vector<16xf32>,
      %swap3A = arith.constant 14 : i32
      %swap3A_241 = arith.index_cast %swap3A : i32 to index
      %swap3A_242 = arith.index_cast %mul3A_239 : i32 to index
      %swap3A_243 = tpu.vector_load %arg6[%swap3A_241, %swap3A_242] {strides = array<i32>} : memref<16x256xf32, #tpu.memory_space<vmem>>, vector<16xf32>,
      tpu.vector_store %arg6[%swap3A_241, %swap3A_242], %get3A_240 {strides = array<i32>} : memref<16x256xf32, #tpu.memory_space<vmem>>, vector<16xf32>,
      %swap3A_244 = arith.index_cast %mul3A_239 : i32 to index
      %swap3A_245 = tpu.vector_load %arg5[%swap3A_244] {strides = array<i32>} : memref<256xf32, #tpu.memory_space<vmem>>, vector<16xf32>,
      tpu.vector_store %arg5[%swap3A_244], %broadcast_in_dim3A_5 {strides = array<i32>} : memref<256xf32, #tpu.memory_space<vmem>>, vector<16xf32>,
      %scan3A_246 = arith.constant 0 : i32
      scf.yield %scan3A_246 : i32
    }
    %scan3A_221 = arith.constant 16 : i32
    %scan3A_222 = arith.constant 0 : i32
    %scan3A_223 = arith.constant 0 : i32
    %scan3A_224 = arith.constant 16 : i32
    %scan3A_225 = arith.addi %scan3A_223, %scan3A_224 : i32
    %scan3A_226 = arith.constant 1 : i32
    %scan3A_227 = scf.for %scan3A_236 = %scan3A_223 to %scan3A_225 step %scan3A_226 iter_args(%scan3A_237 = %scan3A_222) -> (i32)  : i32 {
      %mul3A_238 = arith.constant 8 : i32
      %mul3A_239 = arith.muli %scan3A_236, %mul3A_238 : i32
      %add3A_240 = arith.constant 0 : i32
      %add3A_241 = arith.addi %mul3A_239, %add3A_240 : i32
      %mul3A_242 = arith.constant 16 : i32
      %mul3A_243 = arith.muli %add3A_241, %mul3A_242 : i32
      %get3A = arith.constant 15 : i32
      %get3A_244 = arith.index_cast %get3A : i32 to index
      %get3A_245 = arith.index_cast %mul3A_243 : i32 to index
      %get3A_246 = tpu.vector_load %arg4[%get3A_244, %get3A_245] {strides = array<i32>} : memref<16x2048xi32, #tpu.memory_space<vmem>>, vector<16xi32>,
      tpu.vector_store_idx %arg5[%get3A_246], %broadcast_in_dim3A_3 {add = true} : memref<256xf32, #tpu.memory_space<vmem>>[vector<16xi32>], vector<16xf32>,
      %mul3A_247 = arith.constant 8 : i32
      %mul3A_248 = arith.muli %scan3A_236, %mul3A_247 : i32
      %add3A_249 = arith.constant 1 : i32
      %add3A_250 = arith.addi %mul3A_248, %add3A_249 : i32
      %mul3A_251 = arith.constant 16 : i32
      %mul3A_252 = arith.muli %add3A_250, %mul3A_251 : i32
      %get3A_253 = arith.constant 15 : i32
      %get3A_254 = arith.index_cast %get3A_253 : i32 to index
      %get3A_255 = arith.index_cast %mul3A_252 : i32 to index
      %get3A_256 = tpu.vector_load %arg4[%get3A_254, %get3A_255] {strides = array<i32>} : memref<16x2048xi32, #tpu.memory_space<vmem>>, vector<16xi32>,
      tpu.vector_store_idx %arg5[%get3A_256], %broadcast_in_dim3A_3 {add = true} : memref<256xf32, #tpu.memory_space<vmem>>[vector<16xi32>], vector<16xf32>,
      %mul3A_257 = arith.constant 8 : i32
      %mul3A_258 = arith.muli %scan3A_236, %mul3A_257 : i32
      %add3A_259 = arith.constant 2 : i32
      %add3A_260 = arith.addi %mul3A_258, %add3A_259 : i32
      %mul3A_261 = arith.constant 16 : i32
      %mul3A_262 = arith.muli %add3A_260, %mul3A_261 : i32
      %get3A_263 = arith.constant 15 : i32
      %get3A_264 = arith.index_cast %get3A_263 : i32 to index
      %get3A_265 = arith.index_cast %mul3A_262 : i32 to index
      %get3A_266 = tpu.vector_load %arg4[%get3A_264, %get3A_265] {strides = array<i32>} : memref<16x2048xi32, #tpu.memory_space<vmem>>, vector<16xi32>,
      tpu.vector_store_idx %arg5[%get3A_266], %broadcast_in_dim3A_3 {add = true} : memref<256xf32, #tpu.memory_space<vmem>>[vector<16xi32>], vector<16xf32>,
      %mul3A_267 = arith.constant 8 : i32
      %mul3A_268 = arith.muli %scan3A_236, %mul3A_267 : i32
      %add3A_269 = arith.constant 3 : i32
      %add3A_270 = arith.addi %mul3A_268, %add3A_269 : i32
      %mul3A_271 = arith.constant 16 : i32
      %mul3A_272 = arith.muli %add3A_270, %mul3A_271 : i32
      %get3A_273 = arith.constant 15 : i32
      %get3A_274 = arith.index_cast %get3A_273 : i32 to index
      %get3A_275 = arith.index_cast %mul3A_272 : i32 to index
      %get3A_276 = tpu.vector_load %arg4[%get3A_274, %get3A_275] {strides = array<i32>} : memref<16x2048xi32, #tpu.memory_space<vmem>>, vector<16xi32>,
      tpu.vector_store_idx %arg5[%get3A_276], %broadcast_in_dim3A_3 {add = true} : memref<256xf32, #tpu.memory_space<vmem>>[vector<16xi32>], vector<16xf32>,
      %mul3A_277 = arith.constant 8 : i32
      %mul3A_278 = arith.muli %scan3A_236, %mul3A_277 : i32
      %add3A_279 = arith.constant 4 : i32
      %add3A_280 = arith.addi %mul3A_278, %add3A_279 : i32
      %mul3A_281 = arith.constant 16 : i32
      %mul3A_282 = arith.muli %add3A_280, %mul3A_281 : i32
      %get3A_283 = arith.constant 15 : i32
      %get3A_284 = arith.index_cast %get3A_283 : i32 to index
      %get3A_285 = arith.index_cast %mul3A_282 : i32 to index
      %get3A_286 = tpu.vector_load %arg4[%get3A_284, %get3A_285] {strides = array<i32>} : memref<16x2048xi32, #tpu.memory_space<vmem>>, vector<16xi32>,
      tpu.vector_store_idx %arg5[%get3A_286], %broadcast_in_dim3A_3 {add = true} : memref<256xf32, #tpu.memory_space<vmem>>[vector<16xi32>], vector<16xf32>,
      %mul3A_287 = arith.constant 8 : i32
      %mul3A_288 = arith.muli %scan3A_236, %mul3A_287 : i32
      %add3A_289 = arith.constant 5 : i32
      %add3A_290 = arith.addi %mul3A_288, %add3A_289 : i32
      %mul3A_291 = arith.constant 16 : i32
      %mul3A_292 = arith.muli %add3A_290, %mul3A_291 : i32
      %get3A_293 = arith.constant 15 : i32
      %get3A_294 = arith.index_cast %get3A_293 : i32 to index
      %get3A_295 = arith.index_cast %mul3A_292 : i32 to index
      %get3A_296 = tpu.vector_load %arg4[%get3A_294, %get3A_295] {strides = array<i32>} : memref<16x2048xi32, #tpu.memory_space<vmem>>, vector<16xi32>,
      tpu.vector_store_idx %arg5[%get3A_296], %broadcast_in_dim3A_3 {add = true} : memref<256xf32, #tpu.memory_space<vmem>>[vector<16xi32>], vector<16xf32>,
      %mul3A_297 = arith.constant 8 : i32
      %mul3A_298 = arith.muli %scan3A_236, %mul3A_297 : i32
      %add3A_299 = arith.constant 6 : i32
      %add3A_300 = arith.addi %mul3A_298, %add3A_299 : i32
      %mul3A_301 = arith.constant 16 : i32
      %mul3A_302 = arith.muli %add3A_300, %mul3A_301 : i32
      %get3A_303 = arith.constant 15 : i32
      %get3A_304 = arith.index_cast %get3A_303 : i32 to index
      %get3A_305 = arith.index_cast %mul3A_302 : i32 to index
      %get3A_306 = tpu.vector_load %arg4[%get3A_304, %get3A_305] {strides = array<i32>} : memref<16x2048xi32, #tpu.memory_space<vmem>>, vector<16xi32>,
      tpu.vector_store_idx %arg5[%get3A_306], %broadcast_in_dim3A_3 {add = true} : memref<256xf32, #tpu.memory_space<vmem>>[vector<16xi32>], vector<16xf32>,
      %mul3A_307 = arith.constant 8 : i32
      %mul3A_308 = arith.muli %scan3A_236, %mul3A_307 : i32
      %add3A_309 = arith.constant 7 : i32
      %add3A_310 = arith.addi %mul3A_308, %add3A_309 : i32
      %mul3A_311 = arith.constant 16 : i32
      %mul3A_312 = arith.muli %add3A_310, %mul3A_311 : i32
      %get3A_313 = arith.constant 15 : i32
      %get3A_314 = arith.index_cast %get3A_313 : i32 to index
      %get3A_315 = arith.index_cast %mul3A_312 : i32 to index
      %get3A_316 = tpu.vector_load %arg4[%get3A_314, %get3A_315] {strides = array<i32>} : memref<16x2048xi32, #tpu.memory_space<vmem>>, vector<16xi32>,
      tpu.vector_store_idx %arg5[%get3A_316], %broadcast_in_dim3A_3 {add = true} : memref<256xf32, #tpu.memory_space<vmem>>[vector<16xi32>], vector<16xf32>,
      %scan3A_317 = arith.constant 0 : i32
      scf.yield %scan3A_317 : i32
    }
    %scan3A_228 = arith.constant 16 : i32
    %scan3A_229 = arith.constant 0 : i32
    %scan3A_230 = arith.constant 0 : i32
    %scan3A_231 = arith.constant 16 : i32
    %scan3A_232 = arith.addi %scan3A_230, %scan3A_231 : i32
    %scan3A_233 = arith.constant 1 : i32
    %scan3A_234 = scf.for %scan3A_236 = %scan3A_230 to %scan3A_232 step %scan3A_233 iter_args(%scan3A_237 = %scan3A_229) -> (i32)  : i32 {
      %mul3A_238 = arith.constant 16 : i32
      %mul3A_239 = arith.muli %scan3A_236, %mul3A_238 : i32
      %get3A = arith.index_cast %mul3A_239 : i32 to index
      %get3A_240 = tpu.vector_load %arg5[%get3A] {strides = array<i32>} : memref<256xf32, #tpu.memory_space<vmem>>, vector<16xf32>,
      %swap3A = arith.constant 15 : i32
      %swap3A_241 = arith.index_cast %swap3A : i32 to index
      %swap3A_242 = arith.index_cast %mul3A_239 : i32 to index
      %swap3A_243 = tpu.vector_load %arg6[%swap3A_241, %swap3A_242] {strides = array<i32>} : memref<16x256xf32, #tpu.memory_space<vmem>>, vector<16xf32>,
      tpu.vector_store %arg6[%swap3A_241, %swap3A_242], %get3A_240 {strides = array<i32>} : memref<16x256xf32, #tpu.memory_space<vmem>>, vector<16xf32>,
      %swap3A_244 = arith.index_cast %mul3A_239 : i32 to index
      %swap3A_245 = tpu.vector_load %arg5[%swap3A_244] {strides = array<i32>} : memref<256xf32, #tpu.memory_space<vmem>>, vector<16xf32>,
      tpu.vector_store %arg5[%swap3A_244], %broadcast_in_dim3A_5 {strides = array<i32>} : memref<256xf32, #tpu.memory_space<vmem>>, vector<16xf32>,
      %scan3A_246 = arith.constant 0 : i32
      scf.yield %scan3A_246 : i32
    }
    %scan3A_235 = arith.constant 16 : i32
    "tpu.region"() ({
      %run_scoped3A = tpu.sem_alloc : memref<!tpu.dma_semaphore, #tpu.memory_space<semaphore_mem>>
      %dma_start3A = arith.constant 0 : i32
      %dma_start3A_236 = tpu.memref_slice %arg3[%mul3A_2, %dma_start3A] : memref<512x256xf32, #tpu.memory_space<hbm>> -> memref<16x256xf32, #tpu.memory_space<hbm>>
      %dma_start3A_237 = arith.constant 0 : i32
      %dma_start3A_238 = tpu.memref_slice %arg3[%mul3A_2, %dma_start3A_237] : memref<512x256xf32, #tpu.memory_space<hbm>> -> memref<16x256xf32, #tpu.memory_space<hbm>>
      tpu.enqueue_dma source(%arg6 : memref<16x256xf32, #tpu.memory_space<vmem>>) target(%dma_start3A_238 : memref<16x256xf32, #tpu.memory_space<hbm>>) target_semaphore(%run_scoped3A : memref<!tpu.dma_semaphore, #tpu.memory_space<semaphore_mem>>)
      %dma_wait3A = arith.constant 0 : i32
      %dma_wait3A_239 = tpu.memref_slice %arg3[%mul3A_2, %dma_wait3A] : memref<512x256xf32, #tpu.memory_space<hbm>> -> memref<16x256xf32, #tpu.memory_space<hbm>>
      %dma_wait3A_240 = arith.constant 0 : i32
      %dma_wait3A_241 = tpu.memref_slice %arg3[%mul3A_2, %dma_wait3A_240] : memref<512x256xf32, #tpu.memory_space<hbm>> -> memref<16x256xf32, #tpu.memory_space<hbm>>
      tpu.wait_dma2 semaphore(%run_scoped3A : memref<!tpu.dma_semaphore, #tpu.memory_space<semaphore_mem>>) src(%arg6 : memref<16x256xf32, #tpu.memory_space<vmem>>) dst(%dma_wait3A_241 : memref<16x256xf32, #tpu.memory_space<hbm>>)
      tpu.yield
    }) : () -> ()
    return
  }
}

module attributes {stable_mosaic.version = 14 : i64} {
  func.func @dense_kernel(%arg0: i32, %arg1: memref<512x256xf32, #tpu.memory_space<vmem>>, %arg2: memref<256x64xf32, #tpu.memory_space<vmem>>, %arg3: memref<2048x64xf32, #tpu.memory_space<vmem>>, %arg4: memref<64x512xf32, #tpu.memory_space<vmem>>, %arg5: memref<1x512xf32, #tpu.memory_space<vmem>>, %arg6: memref<512x512xf32, #tpu.memory_space<vmem>>) attributes {dimension_semantics = [#tpu.dimension_semantics<arbitrary>], iteration_bounds = array<i64: 1>, scalar_prefetch = 0 : i64, scratch_operands = 0 : i64, tpu.core_type = #tpu.core_type<tc>, window_params = [{pipeline_mode = #tpu.pipeline_mode<synchronous>, transform_indices = @transform_0, window_bounds = array<i64: 512, 256>}, {pipeline_mode = #tpu.pipeline_mode<synchronous>, transform_indices = @transform_1, window_bounds = array<i64: 256, 64>}, {transform_indices = @transform_2, window_bounds = array<i64: 2048, 64>}, {pipeline_mode = #tpu.pipeline_mode<synchronous>, transform_indices = @transform_3, window_bounds = array<i64: 64, 512>}, {pipeline_mode = #tpu.pipeline_mode<synchronous>, transform_indices = @transform_4, window_bounds = array<i64: 1, 512>}, {pipeline_mode = #tpu.pipeline_mode<synchronous>, transform_indices = @transform_5, window_bounds = array<i64: 512, 512>}]} {
    %get3A = arith.constant 0 : index
    %get3A_0 = arith.constant 0 : index
    %get3A_1 = vector.load %arg1[%get3A, %get3A_0] : memref<512x256xf32, #tpu.memory_space<vmem>>, vector<512x256xf32>
    %get3A_2 = arith.constant 0 : index
    %get3A_3 = arith.constant 0 : index
    %get3A_4 = vector.load %arg2[%get3A_2, %get3A_3] : memref<256x64xf32, #tpu.memory_space<vmem>>, vector<256x64xf32>
    %dot_general3A = arith.constant dense<0.000000e+00> : vector<512x64xf32>
    %dot_general3A_5 = tpu.matmul %get3A_1, %get3A_4, %dot_general3A {dimension_numbers = #tpu.dot_dimension_numbers<[1], [0], [0], [1], [0, 0, 1, 1], [], []>, transpose_lhs_hint = false} : vector<512x256xf32>, vector<256x64xf32>, vector<512x64xf32> -> vector<512x64xf32>
    %get3A_6 = arith.constant 0 : index
    %get3A_7 = arith.constant 0 : index
    %get3A_8 = vector.load %arg3[%get3A_6, %get3A_7] : memref<2048x64xf32, #tpu.memory_space<vmem>>, vector<2048x64xf32>
    %reduce_sum3A = arith.constant dense<0.000000e+00> : vector<64xf32>
    %reduce_sum3A_9 = vector.multi_reduction <add>, %get3A_8, %reduce_sum3A [0] : vector<2048x64xf32> to vector<64xf32>
    %broadcast_in_dim3A = vector.shape_cast %reduce_sum3A_9 : vector<64xf32> to vector<1x64xf32>
    %add3A = vector.broadcast %broadcast_in_dim3A : vector<1x64xf32> to vector<512x64xf32>
    %add3A_10 = arith.addf %dot_general3A_5, %add3A : vector<512x64xf32>
    %mul3A = arith.constant 4.8828125E-4 : f32
    %mul3A_11 = vector.broadcast %mul3A : f32 to vector<512x64xf32>
    %mul3A_12 = arith.mulf %add3A_10, %mul3A_11 : vector<512x64xf32>
    %get3A_13 = arith.constant 0 : index
    %get3A_14 = arith.constant 0 : index
    %get3A_15 = vector.load %arg4[%get3A_13, %get3A_14] : memref<64x512xf32, #tpu.memory_space<vmem>>, vector<64x512xf32>
    %dot_general3A_16 = arith.constant dense<0.000000e+00> : vector<512x512xf32>
    %dot_general3A_17 = tpu.matmul %mul3A_12, %get3A_15, %dot_general3A_16 {dimension_numbers = #tpu.dot_dimension_numbers<[1], [0], [0], [1], [0, 0, 1, 1], [], []>, transpose_lhs_hint = false} : vector<512x64xf32>, vector<64x512xf32>, vector<512x512xf32> -> vector<512x512xf32>
    %get3A_18 = arith.constant 0 : index
    %get3A_19 = arith.constant 0 : index
    %get3A_20 = vector.load %arg5[%get3A_18, %get3A_19] : memref<1x512xf32, #tpu.memory_space<vmem>>, vector<1x512xf32>
    %add3A_21 = vector.broadcast %get3A_20 : vector<1x512xf32> to vector<512x512xf32>
    %add3A_22 = arith.addf %dot_general3A_17, %add3A_21 : vector<512x512xf32>
    %swap3A = arith.constant 0 : index
    %swap3A_23 = arith.constant 0 : index
    %swap3A_24 = vector.load %arg6[%swap3A, %swap3A_23] : memref<512x512xf32, #tpu.memory_space<vmem>>, vector<512x512xf32>
    tpu.vector_store %arg6[%swap3A, %swap3A_23], %add3A_22 {strides = array<i32>} : memref<512x512xf32, #tpu.memory_space<vmem>>, vector<512x512xf32>,
    return
  }
  func.func @transform_0(%arg0: i32) -> (i32, i32) {
    %c0_i32 = arith.constant 0 : i32
    %c0_i32_0 = arith.constant 0 : i32
    %c0_i32_1 = arith.constant 0 : i32
    return %c0_i32, %c0_i32_0 : i32, i32
  }
  func.func @transform_1(%arg0: i32) -> (i32, i32) {
    %c0_i32 = arith.constant 0 : i32
    %c0_i32_0 = arith.constant 0 : i32
    %c0_i32_1 = arith.constant 0 : i32
    return %c0_i32, %c0_i32_0 : i32, i32
  }
  func.func @transform_2(%arg0: i32) -> (i32, i32) {
    %c0_i32 = arith.constant 0 : i32
    %c0_i32_0 = arith.constant 0 : i32
    %c0_i32_1 = arith.constant 0 : i32
    return %c0_i32, %c0_i32_0 : i32, i32
  }
  func.func @transform_3(%arg0: i32) -> (i32, i32) {
    %c0_i32 = arith.constant 0 : i32
    %c0_i32_0 = arith.constant 0 : i32
    %c0_i32_1 = arith.constant 0 : i32
    return %c0_i32, %c0_i32_0 : i32, i32
  }
  func.func @transform_4(%arg0: i32) -> (i32, i32) {
    %c0_i32 = arith.constant 0 : i32
    %c0_i32_0 = arith.constant 0 : i32
    %c0_i32_1 = arith.constant 0 : i32
    return %c0_i32, %c0_i32_0 : i32, i32
  }
  func.func @transform_5(%arg0: i32) -> (i32, i32) {
    %c0_i32 = arith.constant 0 : i32
    %c0_i32_0 = arith.constant 0 : i32
    %c0_i32_1 = arith.constant 0 : i32
    return %c0_i32, %c0_i32_0 : i32, i32
  }
}

</mosaic_0001>

<sc_bundles>
// kernel: kernel.4.cloned.1.call-start
scs
__scs_entry_jumppad:
0x0: {  	(pc) =	sbr.rel $0x88, $3  }
0x1: {  	(tag) =	ssettag $0x0;
	lr =	simm.s32 $0x1  }
0x2: {  	[smem:$0x3F9C] =	sst lr;
	_ =	strace $0xD0000000  }
0x3: {  	_ = 	snop  }
0x4: {  	_ = 	snop  }
0x5: {  	_ = 	snop  }
0x6: {  	_ = 	snop  }
0x7: {  	_ = 	snop  }
__scs_overlays_trampoline_lowered:
0x8: {  	[smem:$0x3FAB] =	sst s0  }
0x9: {  	[smem:$0x3FAC] =	sst s1  }
0xa: {  	[smem:$0x3FAD] =	sst s2  }
0xb: {  	[smem:$0x3FAE] =	sst s3  }
0xc: {  	[smem:$0x3FAF] =	sst s4  }
0xd: {  	[smem:$0x3FB0] =	sst s5  }
0xe: {  	[smem:$0x3FB1] =	sst s6  }
0xf: {  	[smem:$0x3FB2] =	sst s7  }
0x10: {  	[smem:$0x3FB3] =	sst s8  }
0x11: {  	[smem:$0x3FB4] =	sst s9;
	s0 =	simm.s32 @!p0 $0x0  }
0x12: {  	s1 =	sld [smem:$0x3F9A];
	s0 =	simm.s32 @p0 $0x1  }
0x13: {  	[smem:$0x3FB5] =	sst s0;
	s0 =	simm.s32 @!p1 $0x0  }
0x14: {  	s2 =	sld [smem:$0x3F99];
	s0 =	simm.s32 @p1 $0x1  }
0x15: {  	[smem:$0x3FB6] =	sst s0;
	s0 =	simm.s32 @!p2 $0x0  }
0x16: {  	s3 =	sld [smem:$0x3FDB];
	s0 =	simm.s32 @p2 $0x1  }
0x17: {  	s4 =	simm.s32 $0x1BF5;
	[smem:$0x3FB8] =	sst s0  }
0x18: {  	s0 =	sld [smem:$0x3F9B];
	_ =	swait.ge [sflag:s4], $0x0  }
0x19: {  	s7 =	sld [smem:$0x3F9C]  }
0x1a: {  	s8 =	sadd.s32 $0xFFFFE003, lr  }
0x1b: {  	s9 =	sadd.s32 $0xFFFFFEF7, lr;
	s5 =	simm.s32 $0xFFFFFFFF;
	p2 =	slt.u32 s8, $0xFFFFF086  }
0x1c: {  	p1 =	slt.u32 s9, $0xF7A;
	s5 =	simm.s32 @!p2 $0x0  }
0x1d: {  	s5 =	simm.s32 @p1 $0x1;
	p0 =	seq.s32 s7, s2  }
0x1e: {  	s7 =	smul.u32 @!p0 $0xF7A, s2;
	p2 =	seq.s32 @!p0 s5, $0x0  }
0x1f: {  	s9 =	smul.u32 $0xF7A, s1;
	s8 =	simm.s32 @!p0 $0x1BF5;
	p2 =	por !p2, p0  }
0x20: {  	[sflag:s8] =	ssyncset.s32 @!p0 $0xFFFFF086;
	s6 =	sadd.s32 @!p0 s3, s7;
	s7 =	simm.s32 @!p0 $0x108  }
0x21: {  	s3 =	sadd.s32 s3, s9;
	s6 =	sadd.s32 @!p0 $0x88, s6;
	s7 =	simm.s32 @p2 $0x1082  }
0x22: {  	[simem:s7], [sflag:s8] =	dma.local @!p0 [hbm:s6], $0xF7A  }
0x23: {  	s9 =	sor.u32 $0xD0000000, s2;
	s6 =	simm.s32 $0x108;
	_ =	swait.ge @!p0 [sflag:s8], $0x0  }
0x24: {  	s3 =	sadd.s32 $0x88, s3;
	s6 =	simm.s32 @!p1 $0x1082;
	[sflag:s4] =	ssyncset.s32 $0xFFFFF086  }
0x25: {  	[simem:s6], [sflag:s4] =	dma.local [hbm:s3], $0xF7A  }
0x26: {  	[smem:$0x3F9C] =	sst s1;
	(tag) =	ssettag s2;
	_ =	strace s9  }
0x27: {  	s1 =	sld [smem:$0x3FAC]  }
0x28: {  	s2 =	sld [smem:$0x3FAD]  }
0x29: {  	s4 =	sld [smem:$0x3FAF]  }
0x2a: {  	p0 =	seq.s32 s5, $0x0;
	s5 =	sld [smem:$0x3FB0]  }
0x2b: {  	s6 =	sld [smem:$0x3FB1]  }
0x2c: {  	s7 =	sld [smem:$0x3FB2]  }
0x2d: {  	s3 =	simm.s32 $0x108;
	s8 =	sld [smem:$0x3FB3]  }
0x2e: {  	s3 =	simm.s32 @!p0 $0x1082;
	s9 =	sld [smem:$0x3FB4]  }
0x2f: {  	lr =	sadd.s32 s0, s3;
	s0 =	sld [smem:$0x3FAB]  }
0x30: {  	s3 =	sld [smem:$0x3FAE]  }
0x31: {  	[smem:$0x3FB7] =	sst s10  }
0x32: {  	s10 =	sld [smem:$0x3FB5];
	_ =	sdelay $0x3  }
0x33: {  	p0 =	seq.s32 s10, $0x1;
	s10 =	sld [smem:$0x3FB7];
	_ =	sdelay $0x3  }
0x34: {  	[smem:$0x3FB7] =	sst s10  }
0x35: {  	s10 =	sld [smem:$0x3FB6];
	_ =	sdelay $0x3  }
0x36: {  	p1 =	seq.s32 s10, $0x1;
	s10 =	sld [smem:$0x3FB7];
	_ =	sdelay $0x3  }
0x37: {  	[smem:$0x3FB7] =	sst s10  }
0x38: {  	s10 =	sld [smem:$0x3FB8]  }
0x39: {  	_ = 	snop;
	(pc) =	sbr.ind lr, $3  }
0x3a: {  	_ = 	snop  }
0x3b: {  	_ = 	snop  }
0x3c: {  	p2 =	seq.s32 s10, $0x1;
	s10 =	sld [smem:$0x3FB7]  }
0x3d: {  	_ =	shalt  }
0x3e: {  	_ =	shalt  }
0x3f: {  	_ =	shalt  }
0x40: {  	_ =	shalt  }
0x41: {  	_ =	shalt  }
0x42: {  	_ =	shalt  }
0x43: {  	_ =	shalt  }
0x44: {  	_ =	shalt  }
0x45: {  	_ =	shalt  }
0x46: {  	_ =	shalt  }
0x47: {  	_ =	shalt  }
0x48: {  	_ =	shalt  }
0x49: {  	_ =	shalt  }
0x4a: {  	_ =	shalt  }
0x4b: {  	_ =	shalt  }
0x4c: {  	_ =	shalt  }
0x4d: {  	_ =	shalt  }
0x4e: {  	_ =	shalt  }
0x4f: {  	_ =	shalt  }
0x50: {  	_ =	shalt  }
0x51: {  	_ =	shalt  }
0x52: {  	_ =	shalt  }
0x53: {  	_ =	shalt  }
0x54: {  	_ =	shalt  }
0x55: {  	_ =	shalt  }
0x56: {  	_ =	shalt  }
0x57: {  	_ =	shalt  }
0x58: {  	_ =	shalt  }
0x59: {  	_ =	shalt  }
0x5a: {  	_ =	shalt  }
0x5b: {  	_ =	shalt  }
0x5c: {  	_ =	shalt  }
0x5d: {  	_ =	shalt  }
0x5e: {  	_ =	shalt  }
0x5f: {  	_ =	shalt  }
0x60: {  	_ =	shalt  }
0x61: {  	_ =	shalt  }
0x62: {  	_ =	shalt  }
0x63: {  	_ =	shalt  }
0x64: {  	_ =	shalt  }
0x65: {  	_ =	shalt  }
0x66: {  	_ =	shalt  }
0x67: {  	_ =	shalt  }
0x68: {  	_ =	shalt  }
0x69: {  	_ =	shalt  }
0x6a: {  	_ =	shalt  }
0x6b: {  	_ =	shalt  }
0x6c: {  	_ =	shalt  }
0x6d: {  	_ =	shalt  }
0x6e: {  	_ =	shalt  }
0x6f: {  	_ =	shalt  }
0x70: {  	_ =	shalt  }
0x71: {  	_ =	shalt  }
0x72: {  	_ =	shalt  }
0x73: {  	_ =	shalt  }
0x74: {  	_ =	shalt  }
0x75: {  	_ =	shalt  }
0x76: {  	_ =	shalt  }
0x77: {  	_ =	shalt  }
0x78: {  	_ =	shalt  }
0x79: {  	_ =	shalt  }
0x7a: {  	_ =	shalt  }
0x7b: {  	_ =	shalt  }
0x7c: {  	_ =	shalt  }
0x7d: {  	_ =	shalt  }
0x7e: {  	_ =	shalt  }
0x7f: {  	_ =	shalt  }
0x80: {  	_ =	shalt  }
0x81: {  	_ =	shalt  }
0x82: {  	_ =	shalt  }
0x83: {  	_ =	shalt  }
0x84: {  	_ =	shalt  }
0x85: {  	_ =	shalt  }
0x86: {  	_ =	shalt  }
0x87: {  	_ =	shalt  }
.Lfunc_end0:
.L_simem_size_0:
called_computation_lowered:
.L_overlay_start_0:
0x88: {  	s2 =	sld [smem:$0x3FD9]  }
0x89: {  	s3 =	sld [smem:$0x3FFE];
	_ =	sdelay $0x1  }
0x8a: {  	s1 =	srdreg.scid  }
0x8b: {  	s0 =	sand.u32 $0x1, s1  }
0x8c: {  	s18 =	sshll.u32 s0, $0xA;
	s2 =	sadd.s32 s3, s2  }
0x8d: {  	s2 =	sadd.s32 s2, s18  }
0x8e: {  	[smem:$0x3FC3] =	sst s2  }
0x8f: {  	_ = 	snop  }
0x90: {  	s2 =	sld [smem:$0x3FC9]  }
0x91: {  	s19 =	sld [smem:$0x3FD0];
	(tm) =	ssettm $0x1  }
0x92: {  	s4 =	sld [smem:$0x3FFB];
	_ =	sdelay $0x3  }
0x93: {  	_ =	strace s4  }
0x94: {  	s4 =	sld [smem:$0x3FFC];
	_ =	sdelay $0x3  }
0x95: {  	_ =	strace s4  }
0x96: {  	s4 =	sld [smem:$0x3FFD];
	_ =	sdelay $0x3  }
0x97: {  	_ =	strace s4  }
0x98: {  	_ =	strace $0x8FFFFFFF  }
0x99: {  	s20 =	sld [smem:$0x3FDB];
	_ =	sdelay $0x1  }
0x9a: {  	s5 =	simm.s32 $_scs_section_size  }
0x9b: {  	s6 =	simm.s32 $_size__tile_overlayer_lowered;
	s7 =	simm.s32 $_tile_overlayer_lowered  }
0x9c: {  	s23 =	simm.s32 $0x1BFF;
	s22 =	sshll.u32 s7, $0x1;
	s4 =	sadd.s32 s5, s20  }
0x9d: {  	s8 =	simm.s32 $0x0;
	s21 =	sshll.u32 s6, $0x1;
	s6 =	sadd.s32 s22, s4  }
0x9e: {  	[timem:s8], [sflag:s23] =	dma.local [hbm:s6], s21  }
0x9f: {  	_ =	swait.ge [sflag:s23], s21  }
0xa0: {  	s5 =	ssub.s32 $0x0, s21;
	[sflag:s23] =	ssyncset.done $0x0  }
0xa1: {  	[sflag:s23] =	ssyncadd.s32 s5;
	_ =	sdelay $0x1  }
0xa2: {  	s24 =	simm.s32 $0x1B8B  }
0xa3: {  	_ =	swait.ge [sflag:s24], $0x1  }
0xa4: {  	[sflag:s24] =	ssyncset.done $0x0  }
0xa5: {  	s25 =	simm.s32 $0x1B8E;
	[sflag:s24] =	ssyncadd.s32 $0xFFFFFFFF  }
0xa6: {  	s26 =	simm.s32 $execute0_lowered;
	[smem:$0x3FD2] =	sst s25  }
0xa7: {  	s5 =	sshll.u32 s26, $0x1;
	_ =	strace $0x80000046;
	[dreg:$0x1] =	wrdreg $0xFFFFFFFF  }
0xa8: {  	s28 =	simm.s32 $_size_execute0_lowered;
	s4 =	sadd.s32 s4, s5;
	[dreg:$0x0] =	wrdreg $0x0  }
0xa9: {  	s5 =	sshll.u32 s28, $0x1;
	[dreg:$0x2] =	wrdreg s4  }
0xaa: {  	[dreg:$0x3] =	wrdreg s5  }
0xab: {  	[dreg:$0x4] =	wrdreg $0xC0  }
0xac: {  	_ =	task [dreg:s8], $0x5FFFF  }
0xad: {  	[dreg:$0x1] =	wrdreg $0xFFFFFFFF  }
0xae: {  	[dreg:$0x0] =	wrdreg $0x60  }
0xaf: {  	[dreg:$0x2] =	wrdreg s2  }
0xb0: {  	[dreg:$0x3] =	wrdreg s19  }
0xb1: {  	[dreg:$0x4] =	wrdreg $0x9  }
0xb2: {  	_ =	task.clear_ibuf [dreg:s8], $0x5FFFF;
	_ =	strace $0x90000046  }
0xb3: {  	s29 =	simm.s32 $0x9;
	_ =	strace $0x80000048  }
0xb4: {  	_ =	swait.ge [sflag:s29], $0x1  }
0xb5: {  	[sflag:s29] =	ssyncadd.s32 $0xFFFFFFFF  }
0xb6: {  	_ =	strace $0x90000048  }
0xb7: {  	_ =	sfence  }
0xb8: {  	s30 =	sld [smem:$0x0];
	_ =	sdelay $0x2  }
0xb9: {  	s31 =	sshll.u32 s1, $0xD;
	s1 =	sshrl.u32 s1, $0x2  }
0xba: {  	s3 =	sand.u32 $0x4000, s31;
	s1 =	sadd.s32 s1, s30  }
0xbb: {  	s0 =	sor.u32 s3, s0;
	s1 =	sshll.u32 s1, $0x11  }
0xbc: {  	s0 =	sor.u32 s1, s0  }
0xbd: {  	s0 =	sadd.s32 $0x8F2B, s0  }
0xbe: {  	[sflag:s0] =	ssyncadd.remote.s32 $0x1  }
0xbf: {  	_ =	sfence.sel $0xFFFF  }
0xc0: {  	[dreg:$0x0] =	wrdreg $0xFFFFFFFF;
	(pc) =	sbr.abs _section_cstart, $3  }
0xc1: {  	[dreg:$0x1] =	wrdreg $0xFFFFFFFF  }
0xc2: {  	_ =	task.clear_ibuf [dreg:s8], $0x2FFFF;
	_ =	strace $0x9FFFFFFF  }
0xc3: {  	(tm) =	ssettm $0x7FFFFFFF  }
tec
execute0_lowered:
.L_overlay_start_1:
0x0: {  	(tag) =	ssettag $0x1  }
0x1: {  	s3 =	rddreg [dreg:$0x0]  }
0x2: {  	s4 =	rddreg [dreg:$0x1]  }
0x3: {  	s0 =	rddreg [dreg:$0x2];
	s2 =	simm.s32 $0x0;
	s5 =	srdreg.scid  }
0x4: {  	s1 =	stileid.u32;
	[smem:$0x7FF] =	sst s2;
	s5 =	sand.u32 $0x1, s5  }
0x5: {  	s7 =	sshll.u32 s1, $0x5;
	s6 =	ssub.s32 $0x2, s5;
	s5 =	sshll.u32 s5, $0x4  }
0x6: {  	_ =	strace $0x80000047;
	s8 =	sshrl.u32 s6, $0x1;
	s5 =	sor.u32 s5, s7  }
0x7: {  	s6 =	ssub.s32 s6, s8;
	s7 =	sshll.u32 s5, $0x8;
	s5 =	sshll.u32 s5, $0x5  }
0x8: {  	s8 =	simm.s32 $0x0;
	s3 =	sadd.s32 s3, s7;
	s4 =	sadd.s32 s4, s5  }
0x9: {  	v0 =	vimm.f32 $0.0e+00;
	v1 =	vimm.f32 $1.000000000e+00;
	s5 =	smax.u32 s6, $0x1;
	s6 =	simm.s32 $0x1;
	s7 =	simm.s32 $0x8100  }
.LBB2_1:
0xa: {  	[tilespmem:s2], [sflag:$0x1] =	stream.linear.gather [hbm4b:s3+s2], $0x8000, $0x38;
	[tilespmem:$0x9100] =	vst v63  }
0xb: {  	_ =	swait.ge [sflag:s6], $0x8000  }
0xc: {  	[sflag:s6] =	ssyncset.done $0x0  }
0xd: {  	[sflag:s6] =	ssyncadd.s32 $0xFFFF8000  }
0xe: {  	[tilespmem:$0x8000] =	vst v0  }
0xf: {  	[tilespmem:$0x8010] =	vst v0  }
0x10: {  	[tilespmem:$0x8020] =	vst v0  }
0x11: {  	[tilespmem:$0x8030] =	vst v0  }
0x12: {  	[tilespmem:$0x8040] =	vst v0  }
0x13: {  	[tilespmem:$0x8050] =	vst v0  }
0x14: {  	[tilespmem:$0x8060] =	vst v0  }
0x15: {  	[tilespmem:$0x8070] =	vst v0  }
0x16: {  	[tilespmem:$0x8080] =	vst v0  }
0x17: {  	[tilespmem:$0x8090] =	vst v0  }
0x18: {  	[tilespmem:$0x80A0] =	vst v0  }
0x19: {  	[tilespmem:$0x80B0] =	vst v0  }
0x1a: {  	[tilespmem:$0x80C0] =	vst v0  }
0x1b: {  	[tilespmem:$0x80D0] =	vst v0  }
0x1c: {  	[tilespmem:$0x80E0] =	vst v0  }
0x1d: {  	s11 =	simm.s32 $0x0;
	[tilespmem:$0x80F0] =	vst v0  }
.LBB2_2:
0x1e: {  	s9 =	sshra.s32 s11, $0x2  }
0x1f: {  	v2 =	vld [tilespmem:s9+$0x0];
	_ =	sdelay $0x6  }
0x20: {  	s10 =	simm.s32 $0x8000  }
0x21: {  	[tilespmem:v2+s10+$0x0] =	vst.idx.add.f32.msk $0xffff, v1  }
0x22: {  	v2 =	vld [tilespmem:s9+$0x10];
	_ =	sdelay $0x7  }
0x23: {  	[tilespmem:v2+s10+$0x0] =	vst.idx.add.f32.msk $0xffff, v1  }
0x24: {  	v2 =	vld [tilespmem:s9+$0x20];
	_ =	sdelay $0x7  }
0x25: {  	[tilespmem:v2+s10+$0x0] =	vst.idx.add.f32.msk $0xffff, v1  }
0x26: {  	v2 =	vld [tilespmem:s9+$0x30];
	_ =	sdelay $0x7  }
0x27: {  	[tilespmem:v2+s10+$0x0] =	vst.idx.add.f32.msk $0xffff, v1  }
0x28: {  	v2 =	vld [tilespmem:s9+$0x40];
	_ =	sdelay $0x7  }
0x29: {  	[tilespmem:v2+s10+$0x0] =	vst.idx.add.f32.msk $0xffff, v1  }
0x2a: {  	v2 =	vld [tilespmem:s9+$0x50];
	_ =	sdelay $0x7  }
0x2b: {  	[tilespmem:v2+s10+$0x0] =	vst.idx.add.f32.msk $0xffff, v1  }
0x2c: {  	v2 =	vld [tilespmem:s9+$0x60];
	_ =	sdelay $0x7  }
0x2d: {  	[tilespmem:v2+s10+$0x0] =	vst.idx.add.f32.msk $0xffff, v1  }
0x2e: {  	v2 =	vld [tilespmem:s9+$0x70];
	_ =	sdelay $0x2  }
0x2f: {  	p0 =	sne.s32 s11, $0xF000  }
.Ltmp0:
0x30: {  	_ = 	snop;
	(pc) =	sbr.rel @p0 .LBB2_2-.Ltmp0, $2  }
0x31: {  	_ =	sdelay $0x2  }
0x32: {  	s11 =	sadd.s32 $0x1000, s11;
	s9 =	simm.s32 $0x0;
	[tilespmem:v2+s10+$0x0] =	vst.idx.add.f32.msk $0xffff, v1  }
0x33: {  	v2 =	vld [tilespmem:s10+$0x0];
	_ =	sdelay $0x2  }
0x34: {  	s11 =	sand.u32 $0x70, s9;
	s12 =	sand.u32 $0x400, s9  }
0x35: {  	s11 =	sor.u32 s11, s12  }
0x36: {  	[tilespmem:s11+$0x8100] =	vst v2  }
0x37: {  	[tilespmem:s10+$0x0] =	vst v0;
	s10 =	simm.s32 $0x8010  }
0x38: {  	v2 =	vld [tilespmem:s10+$0x0]  }
0x39: {  	s13 =	simm.s32 $0x20;
	s12 =	simm.s32 $0x0;
	s11 =	simm.s32 $0x10  }
.LBB2_4:
0x3a: {  	p0 =	sne.s32 s13, $0xF0;
	s12 =	sadd.s32 $0x80, s12  }
0x3b: {  	s14 =	sand.u32 $0x70, s11;
	s11 =	smov.u32 s13;
	s15 =	sand.u32 $0x400, s12  }
.Ltmp1:
0x3c: {  	s14 =	sor.u32 s14, s15;
	(pc) =	sbr.rel @p0 .LBB2_4-.Ltmp1, $4  }
0x3d: {  	[tilespmem:s14+$0x8100] =	vst v2  }
0x3e: {  	[tilespmem:s10+$0x0] =	vst v0;
	s10 =	sadd.s32 $0x10, s10  }
0x3f: {  	v2 =	vld [tilespmem:s10+$0x0]  }
0x40: {  	s13 =	sadd.s32 $0x10, s13  }
0x41: {  	s12 =	sadd.s32 $0x80, s12  }
0x42: {  	s11 =	sand.u32 $0x70, s11;
	s12 =	sand.u32 $0x400, s12  }
0x43: {  	s11 =	sor.u32 s11, s12  }
0x44: {  	[tilespmem:s11+$0x8100] =	vst v2  }
0x45: {  	[tilespmem:s10+$0x0] =	vst v0  }
.LBB2_6:
0x46: {  	s10 =	sshra.s32 s9, $0x2  }
0x47: {  	v2 =	vld [tilespmem:s10+$0x80];
	_ =	sdelay $0x6  }
0x48: {  	s11 =	simm.s32 $0x8000  }
0x49: {  	[tilespmem:v2+s11+$0x0] =	vst.idx.add.f32.msk $0xffff, v1  }
0x4a: {  	v2 =	vld [tilespmem:s10+$0x90];
	_ =	sdelay $0x7  }
0x4b: {  	[tilespmem:v2+s11+$0x0] =	vst.idx.add.f32.msk $0xffff, v1  }
0x4c: {  	v2 =	vld [tilespmem:s10+$0xA0];
	_ =	sdelay $0x7  }
0x4d: {  	[tilespmem:v2+s11+$0x0] =	vst.idx.add.f32.msk $0xffff, v1  }
0x4e: {  	v2 =	vld [tilespmem:s10+$0xB0];
	_ =	sdelay $0x7  }
0x4f: {  	[tilespmem:v2+s11+$0x0] =	vst.idx.add.f32.msk $0xffff, v1  }
0x50: {  	v2 =	vld [tilespmem:s10+$0xC0];
	_ =	sdelay $0x7  }
0x51: {  	[tilespmem:v2+s11+$0x0] =	vst.idx.add.f32.msk $0xffff, v1  }
0x52: {  	v2 =	vld [tilespmem:s10+$0xD0];
	_ =	sdelay $0x7  }
0x53: {  	[tilespmem:v2+s11+$0x0] =	vst.idx.add.f32.msk $0xffff, v1  }
0x54: {  	v2 =	vld [tilespmem:s10+$0xE0];
	_ =	sdelay $0x7  }
0x55: {  	[tilespmem:v2+s11+$0x0] =	vst.idx.add.f32.msk $0xffff, v1  }
0x56: {  	v2 =	vld [tilespmem:s10+$0xF0];
	_ =	sdelay $0x2  }
0x57: {  	p0 =	sne.s32 s9, $0xF000  }
.Ltmp2:
0x58: {  	_ = 	snop;
	(pc) =	sbr.rel @p0 .LBB2_6-.Ltmp2, $2  }
0x59: {  	_ =	sdelay $0x2  }
0x5a: {  	s9 =	sadd.s32 $0x1000, s9;
	s10 =	simm.s32 $0x0;
	[tilespmem:v2+s11+$0x0] =	vst.idx.add.f32.msk $0xffff, v1  }
0x5b: {  	v2 =	vld [tilespmem:s11+$0x0];
	_ =	sdelay $0x2  }
0x5c: {  	s9 =	sand.u32 $0x70, s10;
	s12 =	sand.u32 $0x400, s10  }
0x5d: {  	s9 =	sor.u32 s9, s12  }
0x5e: {  	[tilespmem:s9+$0x8180] =	vst v2  }
0x5f: {  	s9 =	simm.s32 $0x8010;
	[tilespmem:s11+$0x0] =	vst v0  }
0x60: {  	v2 =	vld [tilespmem:s9+$0x0]  }
0x61: {  	s13 =	simm.s32 $0x20;
	s12 =	simm.s32 $0x0;
	s11 =	simm.s32 $0x10  }
.LBB2_8:
0x62: {  	p0 =	sne.s32 s13, $0xF0;
	s12 =	sadd.s32 $0x80, s12  }
0x63: {  	s14 =	sand.u32 $0x70, s11;
	s11 =	smov.u32 s13;
	s15 =	sand.u32 $0x400, s12  }
.Ltmp3:
0x64: {  	s14 =	sor.u32 s14, s15;
	(pc) =	sbr.rel @p0 .LBB2_8-.Ltmp3, $4  }
0x65: {  	[tilespmem:s14+$0x8180] =	vst v2  }
0x66: {  	[tilespmem:s9+$0x0] =	vst v0;
	s9 =	sadd.s32 $0x10, s9  }
0x67: {  	v2 =	vld [tilespmem:s9+$0x0]  }
0x68: {  	s13 =	sadd.s32 $0x10, s13  }
0x69: {  	s12 =	sadd.s32 $0x80, s12  }
0x6a: {  	s11 =	sand.u32 $0x70, s11;
	s12 =	sand.u32 $0x400, s12  }
0x6b: {  	s11 =	sor.u32 s11, s12  }
0x6c: {  	[tilespmem:s11+$0x8180] =	vst v2  }
0x6d: {  	[tilespmem:s9+$0x0] =	vst v0  }
.LBB2_10:
0x6e: {  	s9 =	sshra.s32 s10, $0x2  }
0x6f: {  	v2 =	vld [tilespmem:s9+$0x100];
	_ =	sdelay $0x6  }
0x70: {  	s11 =	simm.s32 $0x8000  }
0x71: {  	[tilespmem:v2+s11+$0x0] =	vst.idx.add.f32.msk $0xffff, v1  }
0x72: {  	v2 =	vld [tilespmem:s9+$0x110];
	_ =	sdelay $0x7  }
0x73: {  	[tilespmem:v2+s11+$0x0] =	vst.idx.add.f32.msk $0xffff, v1  }
0x74: {  	v2 =	vld [tilespmem:s9+$0x120];
	_ =	sdelay $0x7  }
0x75: {  	[tilespmem:v2+s11+$0x0] =	vst.idx.add.f32.msk $0xffff, v1  }
0x76: {  	v2 =	vld [tilespmem:s9+$0x130];
	_ =	sdelay $0x7  }
0x77: {  	[tilespmem:v2+s11+$0x0] =	vst.idx.add.f32.msk $0xffff, v1  }
0x78: {  	v2 =	vld [tilespmem:s9+$0x140];
	_ =	sdelay $0x7  }
0x79: {  	[tilespmem:v2+s11+$0x0] =	vst.idx.add.f32.msk $0xffff, v1  }
0x7a: {  	v2 =	vld [tilespmem:s9+$0x150];
	_ =	sdelay $0x7  }
0x7b: {  	[tilespmem:v2+s11+$0x0] =	vst.idx.add.f32.msk $0xffff, v1  }
0x7c: {  	v2 =	vld [tilespmem:s9+$0x160];
	_ =	sdelay $0x7  }
0x7d: {  	[tilespmem:v2+s11+$0x0] =	vst.idx.add.f32.msk $0xffff, v1  }
0x7e: {  	v2 =	vld [tilespmem:s9+$0x170];
	_ =	sdelay $0x2  }
0x7f: {  	p0 =	sne.s32 s10, $0xF000  }
.Ltmp4:
0x80: {  	_ = 	snop;
	(pc) =	sbr.rel @p0 .LBB2_10-.Ltmp4, $2  }
0x81: {  	_ =	sdelay $0x2  }
0x82: {  	s10 =	sadd.s32 $0x1000, s10;
	s9 =	simm.s32 $0x0;
	[tilespmem:v2+s11+$0x0] =	vst.idx.add.f32.msk $0xffff, v1  }
0x83: {  	v2 =	vld [tilespmem:s11+$0x0];
	_ =	sdelay $0x2  }
0x84: {  	s10 =	sand.u32 $0x70, s9;
	s12 =	sand.u32 $0x400, s9  }
0x85: {  	s10 =	sor.u32 s10, s12  }
0x86: {  	[tilespmem:s10+$0x8200] =	vst v2  }
0x87: {  	s10 =	simm.s32 $0x8010;
	[tilespmem:s11+$0x0] =	vst v0  }
0x88: {  	v2 =	vld [tilespmem:s10+$0x0]  }
0x89: {  	s13 =	simm.s32 $0x20;
	s12 =	simm.s32 $0x0;
	s11 =	simm.s32 $0x10  }
.LBB2_12:
0x8a: {  	p0 =	sne.s32 s13, $0xF0;
	s12 =	sadd.s32 $0x80, s12  }
0x8b: {  	s14 =	sand.u32 $0x70, s11;
	s11 =	smov.u32 s13;
	s15 =	sand.u32 $0x400, s12  }
.Ltmp5:
0x8c: {  	s14 =	sor.u32 s14, s15;
	(pc) =	sbr.rel @p0 .LBB2_12-.Ltmp5, $4  }
0x8d: {  	[tilespmem:s14+$0x8200] =	vst v2  }
0x8e: {  	[tilespmem:s10+$0x0] =	vst v0;
	s10 =	sadd.s32 $0x10, s10  }
0x8f: {  	v2 =	vld [tilespmem:s10+$0x0]  }
0x90: {  	s13 =	sadd.s32 $0x10, s13  }
0x91: {  	s12 =	sadd.s32 $0x80, s12  }
0x92: {  	s11 =	sand.u32 $0x70, s11;
	s12 =	sand.u32 $0x400, s12  }
0x93: {  	s11 =	sor.u32 s11, s12  }
0x94: {  	[tilespmem:s11+$0x8200] =	vst v2  }
0x95: {  	[tilespmem:s10+$0x0] =	vst v0  }
.LBB2_14:
0x96: {  	s10 =	sshra.s32 s9, $0x2  }
0x97: {  	v2 =	vld [tilespmem:s10+$0x180];
	_ =	sdelay $0x6  }
0x98: {  	s11 =	simm.s32 $0x8000  }
0x99: {  	[tilespmem:v2+s11+$0x0] =	vst.idx.add.f32.msk $0xffff, v1  }
0x9a: {  	v2 =	vld [tilespmem:s10+$0x190];
	_ =	sdelay $0x7  }
0x9b: {  	[tilespmem:v2+s11+$0x0] =	vst.idx.add.f32.msk $0xffff, v1  }
0x9c: {  	v2 =	vld [tilespmem:s10+$0x1A0];
	_ =	sdelay $0x7  }
0x9d: {  	[tilespmem:v2+s11+$0x0] =	vst.idx.add.f32.msk $0xffff, v1  }
0x9e: {  	v2 =	vld [tilespmem:s10+$0x1B0];
	_ =	sdelay $0x7  }
0x9f: {  	[tilespmem:v2+s11+$0x0] =	vst.idx.add.f32.msk $0xffff, v1  }
0xa0: {  	v2 =	vld [tilespmem:s10+$0x1C0];
	_ =	sdelay $0x7  }
0xa1: {  	[tilespmem:v2+s11+$0x0] =	vst.idx.add.f32.msk $0xffff, v1  }
0xa2: {  	v2 =	vld [tilespmem:s10+$0x1D0];
	_ =	sdelay $0x7  }
0xa3: {  	[tilespmem:v2+s11+$0x0] =	vst.idx.add.f32.msk $0xffff, v1  }
0xa4: {  	v2 =	vld [tilespmem:s10+$0x1E0];
	_ =	sdelay $0x7  }
0xa5: {  	[tilespmem:v2+s11+$0x0] =	vst.idx.add.f32.msk $0xffff, v1  }
0xa6: {  	v2 =	vld [tilespmem:s10+$0x1F0];
	_ =	sdelay $0x2  }
0xa7: {  	p0 =	sne.s32 s9, $0xF000  }
.Ltmp6:
0xa8: {  	_ = 	snop;
	(pc) =	sbr.rel @p0 .LBB2_14-.Ltmp6, $2  }
0xa9: {  	_ =	sdelay $0x2  }
0xaa: {  	s9 =	sadd.s32 $0x1000, s9;
	s10 =	simm.s32 $0x0;
	[tilespmem:v2+s11+$0x0] =	vst.idx.add.f32.msk $0xffff, v1  }
0xab: {  	v2 =	vld [tilespmem:s11+$0x0];
	_ =	sdelay $0x2  }
0xac: {  	s9 =	sand.u32 $0x70, s10;
	s12 =	sand.u32 $0x400, s10  }
0xad: {  	s9 =	sor.u32 s9, s12  }
0xae: {  	[tilespmem:s9+$0x8280] =	vst v2  }
0xaf: {  	s9 =	simm.s32 $0x8010;
	[tilespmem:s11+$0x0] =	vst v0  }
0xb0: {  	v2 =	vld [tilespmem:s9+$0x0]  }
0xb1: {  	s13 =	simm.s32 $0x20;
	s12 =	simm.s32 $0x0;
	s11 =	simm.s32 $0x10  }
.LBB2_16:
0xb2: {  	p0 =	sne.s32 s13, $0xF0;
	s12 =	sadd.s32 $0x80, s12  }
0xb3: {  	s14 =	sand.u32 $0x70, s11;
	s11 =	smov.u32 s13;
	s15 =	sand.u32 $0x400, s12  }
.Ltmp7:
0xb4: {  	s14 =	sor.u32 s14, s15;
	(pc) =	sbr.rel @p0 .LBB2_16-.Ltmp7, $4  }
0xb5: {  	[tilespmem:s14+$0x8280] =	vst v2  }
0xb6: {  	[tilespmem:s9+$0x0] =	vst v0;
	s9 =	sadd.s32 $0x10, s9  }
0xb7: {  	v2 =	vld [tilespmem:s9+$0x0]  }
0xb8: {  	s13 =	sadd.s32 $0x10, s13  }
0xb9: {  	s12 =	sadd.s32 $0x80, s12  }
0xba: {  	s11 =	sand.u32 $0x70, s11;
	s12 =	sand.u32 $0x400, s12  }
0xbb: {  	s11 =	sor.u32 s11, s12  }
0xbc: {  	[tilespmem:s11+$0x8280] =	vst v2  }
0xbd: {  	[tilespmem:s9+$0x0] =	vst v0  }
.LBB2_18:
0xbe: {  	s9 =	sshra.s32 s10, $0x2  }
0xbf: {  	v2 =	vld [tilespmem:s9+$0x200];
	_ =	sdelay $0x6  }
0xc0: {  	s11 =	simm.s32 $0x8000  }
0xc1: {  	[tilespmem:v2+s11+$0x0] =	vst.idx.add.f32.msk $0xffff, v1  }
0xc2: {  	v2 =	vld [tilespmem:s9+$0x210];
	_ =	sdelay $0x7  }
0xc3: {  	[tilespmem:v2+s11+$0x0] =	vst.idx.add.f32.msk $0xffff, v1  }
0xc4: {  	v2 =	vld [tilespmem:s9+$0x220];
	_ =	sdelay $0x7  }
0xc5: {  	[tilespmem:v2+s11+$0x0] =	vst.idx.add.f32.msk $0xffff, v1  }
0xc6: {  	v2 =	vld [tilespmem:s9+$0x230];
	_ =	sdelay $0x7  }
0xc7: {  	[tilespmem:v2+s11+$0x0] =	vst.idx.add.f32.msk $0xffff, v1  }
0xc8: {  	v2 =	vld [tilespmem:s9+$0x240];
	_ =	sdelay $0x7  }
0xc9: {  	[tilespmem:v2+s11+$0x0] =	vst.idx.add.f32.msk $0xffff, v1  }
0xca: {  	v2 =	vld [tilespmem:s9+$0x250];
	_ =	sdelay $0x7  }
0xcb: {  	[tilespmem:v2+s11+$0x0] =	vst.idx.add.f32.msk $0xffff, v1  }
0xcc: {  	v2 =	vld [tilespmem:s9+$0x260];
	_ =	sdelay $0x7  }
0xcd: {  	[tilespmem:v2+s11+$0x0] =	vst.idx.add.f32.msk $0xffff, v1  }
0xce: {  	v2 =	vld [tilespmem:s9+$0x270];
	_ =	sdelay $0x2  }
0xcf: {  	p0 =	sne.s32 s10, $0xF000  }
.Ltmp8:
0xd0: {  	_ = 	snop;
	(pc) =	sbr.rel @p0 .LBB2_18-.Ltmp8, $2  }
0xd1: {  	_ =	sdelay $0x2  }
0xd2: {  	s10 =	sadd.s32 $0x1000, s10;
	s9 =	simm.s32 $0x0;
	[tilespmem:v2+s11+$0x0] =	vst.idx.add.f32.msk $0xffff, v1  }
0xd3: {  	v2 =	vld [tilespmem:s11+$0x0];
	_ =	sdelay $0x2  }
0xd4: {  	s10 =	sand.u32 $0x70, s9;
	s12 =	sand.u32 $0x400, s9  }
0xd5: {  	s10 =	sor.u32 s10, s12  }
0xd6: {  	[tilespmem:s10+$0x8300] =	vst v2  }
0xd7: {  	s10 =	simm.s32 $0x8010;
	[tilespmem:s11+$0x0] =	vst v0  }
0xd8: {  	v2 =	vld [tilespmem:s10+$0x0]  }
0xd9: {  	s13 =	simm.s32 $0x20;
	s12 =	simm.s32 $0x0;
	s11 =	simm.s32 $0x10  }
.LBB2_20:
0xda: {  	p0 =	sne.s32 s13, $0xF0;
	s12 =	sadd.s32 $0x80, s12  }
0xdb: {  	s14 =	sand.u32 $0x70, s11;
	s11 =	smov.u32 s13;
	s15 =	sand.u32 $0x400, s12  }
.Ltmp9:
0xdc: {  	s14 =	sor.u32 s14, s15;
	(pc) =	sbr.rel @p0 .LBB2_20-.Ltmp9, $4  }
0xdd: {  	[tilespmem:s14+$0x8300] =	vst v2  }
0xde: {  	[tilespmem:s10+$0x0] =	vst v0;
	s10 =	sadd.s32 $0x10, s10  }
0xdf: {  	v2 =	vld [tilespmem:s10+$0x0]  }
0xe0: {  	s13 =	sadd.s32 $0x10, s13  }
0xe1: {  	s12 =	sadd.s32 $0x80, s12  }
0xe2: {  	s11 =	sand.u32 $0x70, s11;
	s12 =	sand.u32 $0x400, s12  }
0xe3: {  	s11 =	sor.u32 s11, s12  }
0xe4: {  	[tilespmem:s11+$0x8300] =	vst v2  }
0xe5: {  	[tilespmem:s10+$0x0] =	vst v0  }
.LBB2_22:
0xe6: {  	s10 =	sshra.s32 s9, $0x2  }
0xe7: {  	v2 =	vld [tilespmem:s10+$0x280];
	_ =	sdelay $0x6  }
0xe8: {  	s11 =	simm.s32 $0x8000  }
0xe9: {  	[tilespmem:v2+s11+$0x0] =	vst.idx.add.f32.msk $0xffff, v1  }
0xea: {  	v2 =	vld [tilespmem:s10+$0x290];
	_ =	sdelay $0x7  }
0xeb: {  	[tilespmem:v2+s11+$0x0] =	vst.idx.add.f32.msk $0xffff, v1  }
0xec: {  	v2 =	vld [tilespmem:s10+$0x2A0];
	_ =	sdelay $0x7  }
0xed: {  	[tilespmem:v2+s11+$0x0] =	vst.idx.add.f32.msk $0xffff, v1  }
0xee: {  	v2 =	vld [tilespmem:s10+$0x2B0];
	_ =	sdelay $0x7  }
0xef: {  	[tilespmem:v2+s11+$0x0] =	vst.idx.add.f32.msk $0xffff, v1  }
0xf0: {  	v2 =	vld [tilespmem:s10+$0x2C0];
	_ =	sdelay $0x7  }
0xf1: {  	[tilespmem:v2+s11+$0x0] =	vst.idx.add.f32.msk $0xffff, v1  }
0xf2: {  	v2 =	vld [tilespmem:s10+$0x2D0];
	_ =	sdelay $0x7  }
0xf3: {  	[tilespmem:v2+s11+$0x0] =	vst.idx.add.f32.msk $0xffff, v1  }
0xf4: {  	v2 =	vld [tilespmem:s10+$0x2E0];
	_ =	sdelay $0x7  }
0xf5: {  	[tilespmem:v2+s11+$0x0] =	vst.idx.add.f32.msk $0xffff, v1  }
0xf6: {  	v2 =	vld [tilespmem:s10+$0x2F0];
	_ =	sdelay $0x2  }
0xf7: {  	p0 =	sne.s32 s9, $0xF000  }
.Ltmp10:
0xf8: {  	_ = 	snop;
	(pc) =	sbr.rel @p0 .LBB2_22-.Ltmp10, $2  }
0xf9: {  	_ =	sdelay $0x2  }
0xfa: {  	s9 =	sadd.s32 $0x1000, s9;
	s10 =	simm.s32 $0x0;
	[tilespmem:v2+s11+$0x0] =	vst.idx.add.f32.msk $0xffff, v1  }
0xfb: {  	v2 =	vld [tilespmem:s11+$0x0];
	_ =	sdelay $0x2  }
0xfc: {  	s9 =	sand.u32 $0x70, s10;
	s12 =	sand.u32 $0x400, s10  }
0xfd: {  	s9 =	sor.u32 s9, s12  }
0xfe: {  	[tilespmem:s9+$0x8380] =	vst v2  }
0xff: {  	s9 =	simm.s32 $0x8010;
	[tilespmem:s11+$0x0] =	vst v0  }
0x100: {  	v2 =	vld [tilespmem:s9+$0x0]  }
0x101: {  	s13 =	simm.s32 $0x20;
	s12 =	simm.s32 $0x0;
	s11 =	simm.s32 $0x10  }
.LBB2_24:
0x102: {  	p0 =	sne.s32 s13, $0xF0;
	s12 =	sadd.s32 $0x80, s12  }
0x103: {  	s14 =	sand.u32 $0x70, s11;
	s11 =	smov.u32 s13;
	s15 =	sand.u32 $0x400, s12  }
.Ltmp11:
0x104: {  	s14 =	sor.u32 s14, s15;
	(pc) =	sbr.rel @p0 .LBB2_24-.Ltmp11, $4  }
0x105: {  	[tilespmem:s14+$0x8380] =	vst v2  }
0x106: {  	[tilespmem:s9+$0x0] =	vst v0;
	s9 =	sadd.s32 $0x10, s9  }
0x107: {  	v2 =	vld [tilespmem:s9+$0x0]  }
0x108: {  	s13 =	sadd.s32 $0x10, s13  }
0x109: {  	s12 =	sadd.s32 $0x80, s12  }
0x10a: {  	s11 =	sand.u32 $0x70, s11;
	s12 =	sand.u32 $0x400, s12  }
0x10b: {  	s11 =	sor.u32 s11, s12  }
0x10c: {  	[tilespmem:s11+$0x8380] =	vst v2  }
0x10d: {  	[tilespmem:s9+$0x0] =	vst v0  }
.LBB2_26:
0x10e: {  	s9 =	sshra.s32 s10, $0x2  }
0x10f: {  	v2 =	vld [tilespmem:s9+$0x300];
	_ =	sdelay $0x6  }
0x110: {  	s11 =	simm.s32 $0x8000  }
0x111: {  	[tilespmem:v2+s11+$0x0] =	vst.idx.add.f32.msk $0xffff, v1  }
0x112: {  	v2 =	vld [tilespmem:s9+$0x310];
	_ =	sdelay $0x7  }
0x113: {  	[tilespmem:v2+s11+$0x0] =	vst.idx.add.f32.msk $0xffff, v1  }
0x114: {  	v2 =	vld [tilespmem:s9+$0x320];
	_ =	sdelay $0x7  }
0x115: {  	[tilespmem:v2+s11+$0x0] =	vst.idx.add.f32.msk $0xffff, v1  }
0x116: {  	v2 =	vld [tilespmem:s9+$0x330];
	_ =	sdelay $0x7  }
0x117: {  	[tilespmem:v2+s11+$0x0] =	vst.idx.add.f32.msk $0xffff, v1  }
0x118: {  	v2 =	vld [tilespmem:s9+$0x340];
	_ =	sdelay $0x7  }
0x119: {  	[tilespmem:v2+s11+$0x0] =	vst.idx.add.f32.msk $0xffff, v1  }
0x11a: {  	v2 =	vld [tilespmem:s9+$0x350];
	_ =	sdelay $0x7  }
0x11b: {  	[tilespmem:v2+s11+$0x0] =	vst.idx.add.f32.msk $0xffff, v1  }
0x11c: {  	v2 =	vld [tilespmem:s9+$0x360];
	_ =	sdelay $0x7  }
0x11d: {  	[tilespmem:v2+s11+$0x0] =	vst.idx.add.f32.msk $0xffff, v1  }
0x11e: {  	v2 =	vld [tilespmem:s9+$0x370];
	_ =	sdelay $0x2  }
0x11f: {  	p0 =	sne.s32 s10, $0xF000  }
.Ltmp12:
0x120: {  	_ = 	snop;
	(pc) =	sbr.rel @p0 .LBB2_26-.Ltmp12, $2  }
0x121: {  	_ =	sdelay $0x2  }
0x122: {  	s10 =	sadd.s32 $0x1000, s10;
	s9 =	simm.s32 $0x0;
	[tilespmem:v2+s11+$0x0] =	vst.idx.add.f32.msk $0xffff, v1  }
0x123: {  	v2 =	vld [tilespmem:s11+$0x0];
	_ =	sdelay $0x2  }
0x124: {  	s10 =	sand.u32 $0x70, s9;
	s12 =	sand.u32 $0x400, s9  }
0x125: {  	s10 =	sor.u32 s10, s12  }
0x126: {  	[tilespmem:s10+$0x8400] =	vst v2  }
0x127: {  	s10 =	simm.s32 $0x8010;
	[tilespmem:s11+$0x0] =	vst v0  }
0x128: {  	v2 =	vld [tilespmem:s10+$0x0]  }
0x129: {  	s13 =	simm.s32 $0x20;
	s12 =	simm.s32 $0x0;
	s11 =	simm.s32 $0x10  }
.LBB2_28:
0x12a: {  	p0 =	sne.s32 s13, $0xF0;
	s12 =	sadd.s32 $0x80, s12  }
0x12b: {  	s14 =	sand.u32 $0x70, s11;
	s11 =	smov.u32 s13;
	s15 =	sand.u32 $0x400, s12  }
.Ltmp13:
0x12c: {  	s14 =	sor.u32 s14, s15;
	(pc) =	sbr.rel @p0 .LBB2_28-.Ltmp13, $4  }
0x12d: {  	[tilespmem:s14+$0x8400] =	vst v2  }
0x12e: {  	[tilespmem:s10+$0x0] =	vst v0;
	s10 =	sadd.s32 $0x10, s10  }
0x12f: {  	v2 =	vld [tilespmem:s10+$0x0]  }
0x130: {  	s13 =	sadd.s32 $0x10, s13  }
0x131: {  	s12 =	sadd.s32 $0x80, s12  }
0x132: {  	s11 =	sand.u32 $0x70, s11;
	s12 =	sand.u32 $0x400, s12  }
0x133: {  	s11 =	sor.u32 s11, s12  }
0x134: {  	[tilespmem:s11+$0x8400] =	vst v2  }
0x135: {  	[tilespmem:s10+$0x0] =	vst v0  }
.LBB2_30:
0x136: {  	s10 =	sshra.s32 s9, $0x2  }
0x137: {  	v2 =	vld [tilespmem:s10+$0x380];
	_ =	sdelay $0x6  }
0x138: {  	s11 =	simm.s32 $0x8000  }
0x139: {  	[tilespmem:v2+s11+$0x0] =	vst.idx.add.f32.msk $0xffff, v1  }
0x13a: {  	v2 =	vld [tilespmem:s10+$0x390];
	_ =	sdelay $0x7  }
0x13b: {  	[tilespmem:v2+s11+$0x0] =	vst.idx.add.f32.msk $0xffff, v1  }
0x13c: {  	v2 =	vld [tilespmem:s10+$0x3A0];
	_ =	sdelay $0x7  }
0x13d: {  	[tilespmem:v2+s11+$0x0] =	vst.idx.add.f32.msk $0xffff, v1  }
0x13e: {  	v2 =	vld [tilespmem:s10+$0x3B0];
	_ =	sdelay $0x7  }
0x13f: {  	[tilespmem:v2+s11+$0x0] =	vst.idx.add.f32.msk $0xffff, v1  }
0x140: {  	v2 =	vld [tilespmem:s10+$0x3C0];
	_ =	sdelay $0x7  }
0x141: {  	[tilespmem:v2+s11+$0x0] =	vst.idx.add.f32.msk $0xffff, v1  }
0x142: {  	v2 =	vld [tilespmem:s10+$0x3D0];
	_ =	sdelay $0x7  }
0x143: {  	[tilespmem:v2+s11+$0x0] =	vst.idx.add.f32.msk $0xffff, v1  }
0x144: {  	v2 =	vld [tilespmem:s10+$0x3E0];
	_ =	sdelay $0x7  }
0x145: {  	[tilespmem:v2+s11+$0x0] =	vst.idx.add.f32.msk $0xffff, v1  }
0x146: {  	v2 =	vld [tilespmem:s10+$0x3F0];
	_ =	sdelay $0x2  }
0x147: {  	p0 =	sne.s32 s9, $0xF000  }
.Ltmp14:
0x148: {  	_ = 	snop;
	(pc) =	sbr.rel @p0 .LBB2_30-.Ltmp14, $2  }
0x149: {  	_ =	sdelay $0x2  }
0x14a: {  	s9 =	sadd.s32 $0x1000, s9;
	s10 =	simm.s32 $0x0;
	[tilespmem:v2+s11+$0x0] =	vst.idx.add.f32.msk $0xffff, v1  }
0x14b: {  	v2 =	vld [tilespmem:s11+$0x0];
	_ =	sdelay $0x2  }
0x14c: {  	s9 =	sor.u32 s10, s10  }
0x14d: {  	s9 =	sor.u32 $0x380, s9  }
0x14e: {  	[tilespmem:s9+$0x8100] =	vst v2  }
0x14f: {  	s9 =	simm.s32 $0x8010;
	[tilespmem:s11+$0x0] =	vst v0  }
0x150: {  	v2 =	vld [tilespmem:s9+$0x0]  }
0x151: {  	s13 =	simm.s32 $0x20;
	s12 =	simm.s32 $0x0;
	s11 =	simm.s32 $0x10  }
.LBB2_32:
0x152: {  	p0 =	sne.s32 s13, $0xF0;
	s12 =	sadd.s32 $0x80, s12  }
0x153: {  	s14 =	sor.u32 s12, s11;
	s11 =	smov.u32 s13  }
.Ltmp15:
0x154: {  	s14 =	sor.u32 $0x380, s14;
	(pc) =	sbr.rel @p0 .LBB2_32-.Ltmp15, $4  }
0x155: {  	[tilespmem:s14+$0x8100] =	vst v2  }
0x156: {  	[tilespmem:s9+$0x0] =	vst v0;
	s9 =	sadd.s32 $0x10, s9  }
0x157: {  	v2 =	vld [tilespmem:s9+$0x0]  }
0x158: {  	s13 =	sadd.s32 $0x10, s13  }
0x159: {  	s12 =	sadd.s32 $0x80, s12  }
0x15a: {  	s11 =	sor.u32 s12, s11  }
0x15b: {  	s11 =	sor.u32 $0x380, s11  }
0x15c: {  	[tilespmem:s11+$0x8100] =	vst v2  }
0x15d: {  	[tilespmem:s9+$0x0] =	vst v0  }
.LBB2_34:
0x15e: {  	s9 =	sshra.s32 s10, $0x2  }
0x15f: {  	v2 =	vld [tilespmem:s9+$0x4000];
	_ =	sdelay $0x6  }
0x160: {  	s11 =	simm.s32 $0x8000  }
0x161: {  	[tilespmem:v2+s11+$0x0] =	vst.idx.add.f32.msk $0xffff, v1  }
0x162: {  	v2 =	vld [tilespmem:s9+$0x4010];
	_ =	sdelay $0x7  }
0x163: {  	[tilespmem:v2+s11+$0x0] =	vst.idx.add.f32.msk $0xffff, v1  }
0x164: {  	v2 =	vld [tilespmem:s9+$0x4020];
	_ =	sdelay $0x7  }
0x165: {  	[tilespmem:v2+s11+$0x0] =	vst.idx.add.f32.msk $0xffff, v1  }
0x166: {  	v2 =	vld [tilespmem:s9+$0x4030];
	_ =	sdelay $0x7  }
0x167: {  	[tilespmem:v2+s11+$0x0] =	vst.idx.add.f32.msk $0xffff, v1  }
0x168: {  	v2 =	vld [tilespmem:s9+$0x4040];
	_ =	sdelay $0x7  }
0x169: {  	[tilespmem:v2+s11+$0x0] =	vst.idx.add.f32.msk $0xffff, v1  }
0x16a: {  	v2 =	vld [tilespmem:s9+$0x4050];
	_ =	sdelay $0x7  }
0x16b: {  	[tilespmem:v2+s11+$0x0] =	vst.idx.add.f32.msk $0xffff, v1  }
0x16c: {  	v2 =	vld [tilespmem:s9+$0x4060];
	_ =	sdelay $0x7  }
0x16d: {  	[tilespmem:v2+s11+$0x0] =	vst.idx.add.f32.msk $0xffff, v1  }
0x16e: {  	v2 =	vld [tilespmem:s9+$0x4070];
	_ =	sdelay $0x2  }
0x16f: {  	p0 =	sne.s32 s10, $0xF000  }
.Ltmp16:
0x170: {  	_ = 	snop;
	(pc) =	sbr.rel @p0 .LBB2_34-.Ltmp16, $2  }
0x171: {  	_ =	sdelay $0x2  }
0x172: {  	s10 =	sadd.s32 $0x1000, s10;
	s9 =	simm.s32 $0x0;
	[tilespmem:v2+s11+$0x0] =	vst.idx.add.f32.msk $0xffff, v1  }
0x173: {  	v2 =	vld [tilespmem:s11+$0x0];
	_ =	sdelay $0x2  }
0x174: {  	s10 =	sand.u32 $0x70, s9;
	s12 =	sand.u32 $0x400, s9  }
0x175: {  	s10 =	sor.u32 s10, s12  }
0x176: {  	[tilespmem:s10+$0x8900] =	vst v2  }
0x177: {  	s10 =	simm.s32 $0x8010;
	[tilespmem:s11+$0x0] =	vst v0  }
0x178: {  	v2 =	vld [tilespmem:s10+$0x0]  }
0x179: {  	s13 =	simm.s32 $0x20;
	s12 =	simm.s32 $0x0;
	s11 =	simm.s32 $0x10  }
.LBB2_36:
0x17a: {  	p0 =	sne.s32 s13, $0xF0;
	s12 =	sadd.s32 $0x80, s12  }
0x17b: {  	s14 =	sand.u32 $0x70, s11;
	s11 =	smov.u32 s13;
	s15 =	sand.u32 $0x400, s12  }
.Ltmp17:
0x17c: {  	s14 =	sor.u32 s14, s15;
	(pc) =	sbr.rel @p0 .LBB2_36-.Ltmp17, $4  }
0x17d: {  	[tilespmem:s14+$0x8900] =	vst v2  }
0x17e: {  	[tilespmem:s10+$0x0] =	vst v0;
	s10 =	sadd.s32 $0x10, s10  }
0x17f: {  	v2 =	vld [tilespmem:s10+$0x0]  }
0x180: {  	s13 =	sadd.s32 $0x10, s13  }
0x181: {  	s12 =	sadd.s32 $0x80, s12  }
0x182: {  	s11 =	sand.u32 $0x70, s11;
	s12 =	sand.u32 $0x400, s12  }
0x183: {  	s11 =	sor.u32 s11, s12  }
0x184: {  	[tilespmem:s11+$0x8900] =	vst v2  }
0x185: {  	[tilespmem:s10+$0x0] =	vst v0  }
.LBB2_38:
0x186: {  	s10 =	sshra.s32 s9, $0x2  }
0x187: {  	v2 =	vld [tilespmem:s10+$0x4080];
	_ =	sdelay $0x6  }
0x188: {  	s11 =	simm.s32 $0x8000  }
0x189: {  	[tilespmem:v2+s11+$0x0] =	vst.idx.add.f32.msk $0xffff, v1  }
0x18a: {  	v2 =	vld [tilespmem:s10+$0x4090];
	_ =	sdelay $0x7  }
0x18b: {  	[tilespmem:v2+s11+$0x0] =	vst.idx.add.f32.msk $0xffff, v1  }
0x18c: {  	v2 =	vld [tilespmem:s10+$0x40A0];
	_ =	sdelay $0x7  }
0x18d: {  	[tilespmem:v2+s11+$0x0] =	vst.idx.add.f32.msk $0xffff, v1  }
0x18e: {  	v2 =	vld [tilespmem:s10+$0x40B0];
	_ =	sdelay $0x7  }
0x18f: {  	[tilespmem:v2+s11+$0x0] =	vst.idx.add.f32.msk $0xffff, v1  }
0x190: {  	v2 =	vld [tilespmem:s10+$0x40C0];
	_ =	sdelay $0x7  }
0x191: {  	[tilespmem:v2+s11+$0x0] =	vst.idx.add.f32.msk $0xffff, v1  }
0x192: {  	v2 =	vld [tilespmem:s10+$0x40D0];
	_ =	sdelay $0x7  }
0x193: {  	[tilespmem:v2+s11+$0x0] =	vst.idx.add.f32.msk $0xffff, v1  }
0x194: {  	v2 =	vld [tilespmem:s10+$0x40E0];
	_ =	sdelay $0x7  }
0x195: {  	[tilespmem:v2+s11+$0x0] =	vst.idx.add.f32.msk $0xffff, v1  }
0x196: {  	v2 =	vld [tilespmem:s10+$0x40F0];
	_ =	sdelay $0x2  }
0x197: {  	p0 =	sne.s32 s9, $0xF000  }
.Ltmp18:
0x198: {  	_ = 	snop;
	(pc) =	sbr.rel @p0 .LBB2_38-.Ltmp18, $2  }
0x199: {  	_ =	sdelay $0x2  }
0x19a: {  	s9 =	sadd.s32 $0x1000, s9;
	s10 =	simm.s32 $0x0;
	[tilespmem:v2+s11+$0x0] =	vst.idx.add.f32.msk $0xffff, v1  }
0x19b: {  	v2 =	vld [tilespmem:s11+$0x0];
	_ =	sdelay $0x2  }
0x19c: {  	s9 =	sand.u32 $0x70, s10;
	s12 =	sand.u32 $0x400, s10  }
0x19d: {  	s9 =	sor.u32 s9, s12  }
0x19e: {  	[tilespmem:s9+$0x8980] =	vst v2  }
0x19f: {  	s9 =	simm.s32 $0x8010;
	[tilespmem:s11+$0x0] =	vst v0  }
0x1a0: {  	v2 =	vld [tilespmem:s9+$0x0]  }
0x1a1: {  	s13 =	simm.s32 $0x20;
	s12 =	simm.s32 $0x0;
	s11 =	simm.s32 $0x10  }
.LBB2_40:
0x1a2: {  	p0 =	sne.s32 s13, $0xF0;
	s12 =	sadd.s32 $0x80, s12  }
0x1a3: {  	s14 =	sand.u32 $0x70, s11;
	s11 =	smov.u32 s13;
	s15 =	sand.u32 $0x400, s12  }
.Ltmp19:
0x1a4: {  	s14 =	sor.u32 s14, s15;
	(pc) =	sbr.rel @p0 .LBB2_40-.Ltmp19, $4  }
0x1a5: {  	[tilespmem:s14+$0x8980] =	vst v2  }
0x1a6: {  	[tilespmem:s9+$0x0] =	vst v0;
	s9 =	sadd.s32 $0x10, s9  }
0x1a7: {  	v2 =	vld [tilespmem:s9+$0x0]  }
0x1a8: {  	s13 =	sadd.s32 $0x10, s13  }
0x1a9: {  	s12 =	sadd.s32 $0x80, s12  }
0x1aa: {  	s11 =	sand.u32 $0x70, s11;
	s12 =	sand.u32 $0x400, s12  }
0x1ab: {  	s11 =	sor.u32 s11, s12  }
0x1ac: {  	[tilespmem:s11+$0x8980] =	vst v2  }
0x1ad: {  	[tilespmem:s9+$0x0] =	vst v0  }
.LBB2_42:
0x1ae: {  	s9 =	sshra.s32 s10, $0x2  }
0x1af: {  	v2 =	vld [tilespmem:s9+$0x4100];
	_ =	sdelay $0x6  }
0x1b0: {  	s11 =	simm.s32 $0x8000  }
0x1b1: {  	[tilespmem:v2+s11+$0x0] =	vst.idx.add.f32.msk $0xffff, v1  }
0x1b2: {  	v2 =	vld [tilespmem:s9+$0x4110];
	_ =	sdelay $0x7  }
0x1b3: {  	[tilespmem:v2+s11+$0x0] =	vst.idx.add.f32.msk $0xffff, v1  }
0x1b4: {  	v2 =	vld [tilespmem:s9+$0x4120];
	_ =	sdelay $0x7  }
0x1b5: {  	[tilespmem:v2+s11+$0x0] =	vst.idx.add.f32.msk $0xffff, v1  }
0x1b6: {  	v2 =	vld [tilespmem:s9+$0x4130];
	_ =	sdelay $0x7  }
0x1b7: {  	[tilespmem:v2+s11+$0x0] =	vst.idx.add.f32.msk $0xffff, v1  }
0x1b8: {  	v2 =	vld [tilespmem:s9+$0x4140];
	_ =	sdelay $0x7  }
0x1b9: {  	[tilespmem:v2+s11+$0x0] =	vst.idx.add.f32.msk $0xffff, v1  }
0x1ba: {  	v2 =	vld [tilespmem:s9+$0x4150];
	_ =	sdelay $0x7  }
0x1bb: {  	[tilespmem:v2+s11+$0x0] =	vst.idx.add.f32.msk $0xffff, v1  }
0x1bc: {  	v2 =	vld [tilespmem:s9+$0x4160];
	_ =	sdelay $0x7  }
0x1bd: {  	[tilespmem:v2+s11+$0x0] =	vst.idx.add.f32.msk $0xffff, v1  }
0x1be: {  	v2 =	vld [tilespmem:s9+$0x4170];
	_ =	sdelay $0x2  }
0x1bf: {  	p0 =	sne.s32 s10, $0xF000  }
.Ltmp20:
0x1c0: {  	_ = 	snop;
	(pc) =	sbr.rel @p0 .LBB2_42-.Ltmp20, $2  }
0x1c1: {  	_ =	sdelay $0x2  }
0x1c2: {  	s10 =	sadd.s32 $0x1000, s10;
	s9 =	simm.s32 $0x0;
	[tilespmem:v2+s11+$0x0] =	vst.idx.add.f32.msk $0xffff, v1  }
0x1c3: {  	v2 =	vld [tilespmem:s11+$0x0];
	_ =	sdelay $0x2  }
0x1c4: {  	s10 =	sand.u32 $0x70, s9;
	s12 =	sand.u32 $0x400, s9  }
0x1c5: {  	s10 =	sor.u32 s10, s12  }
0x1c6: {  	[tilespmem:s10+$0x8A00] =	vst v2  }
0x1c7: {  	s10 =	simm.s32 $0x8010;
	[tilespmem:s11+$0x0] =	vst v0  }
0x1c8: {  	v2 =	vld [tilespmem:s10+$0x0]  }
0x1c9: {  	s13 =	simm.s32 $0x20;
	s12 =	simm.s32 $0x0;
	s11 =	simm.s32 $0x10  }
.LBB2_44:
0x1ca: {  	p0 =	sne.s32 s13, $0xF0;
	s12 =	sadd.s32 $0x80, s12  }
0x1cb: {  	s14 =	sand.u32 $0x70, s11;
	s11 =	smov.u32 s13;
	s15 =	sand.u32 $0x400, s12  }
.Ltmp21:
0x1cc: {  	s14 =	sor.u32 s14, s15;
	(pc) =	sbr.rel @p0 .LBB2_44-.Ltmp21, $4  }
0x1cd: {  	[tilespmem:s14+$0x8A00] =	vst v2  }
0x1ce: {  	[tilespmem:s10+$0x0] =	vst v0;
	s10 =	sadd.s32 $0x10, s10  }
0x1cf: {  	v2 =	vld [tilespmem:s10+$0x0]  }
0x1d0: {  	s13 =	sadd.s32 $0x10, s13  }
0x1d1: {  	s12 =	sadd.s32 $0x80, s12  }
0x1d2: {  	s11 =	sand.u32 $0x70, s11;
	s12 =	sand.u32 $0x400, s12  }
0x1d3: {  	s11 =	sor.u32 s11, s12  }
0x1d4: {  	[tilespmem:s11+$0x8A00] =	vst v2  }
0x1d5: {  	[tilespmem:s10+$0x0] =	vst v0  }
.LBB2_46:
0x1d6: {  	s10 =	sshra.s32 s9, $0x2  }
0x1d7: {  	v2 =	vld [tilespmem:s10+$0x4180];
	_ =	sdelay $0x6  }
0x1d8: {  	s11 =	simm.s32 $0x8000  }
0x1d9: {  	[tilespmem:v2+s11+$0x0] =	vst.idx.add.f32.msk $0xffff, v1  }
0x1da: {  	v2 =	vld [tilespmem:s10+$0x4190];
	_ =	sdelay $0x7  }
0x1db: {  	[tilespmem:v2+s11+$0x0] =	vst.idx.add.f32.msk $0xffff, v1  }
0x1dc: {  	v2 =	vld [tilespmem:s10+$0x41A0];
	_ =	sdelay $0x7  }
0x1dd: {  	[tilespmem:v2+s11+$0x0] =	vst.idx.add.f32.msk $0xffff, v1  }
0x1de: {  	v2 =	vld [tilespmem:s10+$0x41B0];
	_ =	sdelay $0x7  }
0x1df: {  	[tilespmem:v2+s11+$0x0] =	vst.idx.add.f32.msk $0xffff, v1  }
0x1e0: {  	v2 =	vld [tilespmem:s10+$0x41C0];
	_ =	sdelay $0x7  }
0x1e1: {  	[tilespmem:v2+s11+$0x0] =	vst.idx.add.f32.msk $0xffff, v1  }
0x1e2: {  	v2 =	vld [tilespmem:s10+$0x41D0];
	_ =	sdelay $0x7  }
0x1e3: {  	[tilespmem:v2+s11+$0x0] =	vst.idx.add.f32.msk $0xffff, v1  }
0x1e4: {  	v2 =	vld [tilespmem:s10+$0x41E0];
	_ =	sdelay $0x7  }
0x1e5: {  	[tilespmem:v2+s11+$0x0] =	vst.idx.add.f32.msk $0xffff, v1  }
0x1e6: {  	v2 =	vld [tilespmem:s10+$0x41F0];
	_ =	sdelay $0x2  }
0x1e7: {  	p0 =	sne.s32 s9, $0xF000  }
.Ltmp22:
0x1e8: {  	_ = 	snop;
	(pc) =	sbr.rel @p0 .LBB2_46-.Ltmp22, $2  }
0x1e9: {  	_ =	sdelay $0x2  }
0x1ea: {  	s9 =	sadd.s32 $0x1000, s9;
	s10 =	simm.s32 $0x0;
	[tilespmem:v2+s11+$0x0] =	vst.idx.add.f32.msk $0xffff, v1  }
0x1eb: {  	v2 =	vld [tilespmem:s11+$0x0];
	_ =	sdelay $0x2  }
0x1ec: {  	s9 =	sand.u32 $0x70, s10;
	s12 =	sand.u32 $0x400, s10  }
0x1ed: {  	s9 =	sor.u32 s9, s12  }
0x1ee: {  	[tilespmem:s9+$0x8A80] =	vst v2  }
0x1ef: {  	s9 =	simm.s32 $0x8010;
	[tilespmem:s11+$0x0] =	vst v0  }
0x1f0: {  	v2 =	vld [tilespmem:s9+$0x0]  }
0x1f1: {  	s13 =	simm.s32 $0x20;
	s12 =	simm.s32 $0x0;
	s11 =	simm.s32 $0x10  }
.LBB2_48:
0x1f2: {  	p0 =	sne.s32 s13, $0xF0;
	s12 =	sadd.s32 $0x80, s12  }
0x1f3: {  	s14 =	sand.u32 $0x70, s11;
	s11 =	smov.u32 s13;
	s15 =	sand.u32 $0x400, s12  }
.Ltmp23:
0x1f4: {  	s14 =	sor.u32 s14, s15;
	(pc) =	sbr.rel @p0 .LBB2_48-.Ltmp23, $4  }
0x1f5: {  	[tilespmem:s14+$0x8A80] =	vst v2  }
0x1f6: {  	[tilespmem:s9+$0x0] =	vst v0;
	s9 =	sadd.s32 $0x10, s9  }
0x1f7: {  	v2 =	vld [tilespmem:s9+$0x0]  }
0x1f8: {  	s13 =	sadd.s32 $0x10, s13  }
0x1f9: {  	s12 =	sadd.s32 $0x80, s12  }
0x1fa: {  	s11 =	sand.u32 $0x70, s11;
	s12 =	sand.u32 $0x400, s12  }
0x1fb: {  	s11 =	sor.u32 s11, s12  }
0x1fc: {  	[tilespmem:s11+$0x8A80] =	vst v2  }
0x1fd: {  	[tilespmem:s9+$0x0] =	vst v0  }
.LBB2_50:
0x1fe: {  	s9 =	sshra.s32 s10, $0x2  }
0x1ff: {  	v2 =	vld [tilespmem:s9+$0x4200];
	_ =	sdelay $0x6  }
0x200: {  	s11 =	simm.s32 $0x8000  }
0x201: {  	[tilespmem:v2+s11+$0x0] =	vst.idx.add.f32.msk $0xffff, v1  }
0x202: {  	v2 =	vld [tilespmem:s9+$0x4210];
	_ =	sdelay $0x7  }
0x203: {  	[tilespmem:v2+s11+$0x0] =	vst.idx.add.f32.msk $0xffff, v1  }
0x204: {  	v2 =	vld [tilespmem:s9+$0x4220];
	_ =	sdelay $0x7  }
0x205: {  	[tilespmem:v2+s11+$0x0] =	vst.idx.add.f32.msk $0xffff, v1  }
0x206: {  	v2 =	vld [tilespmem:s9+$0x4230];
	_ =	sdelay $0x7  }
0x207: {  	[tilespmem:v2+s11+$0x0] =	vst.idx.add.f32.msk $0xffff, v1  }
0x208: {  	v2 =	vld [tilespmem:s9+$0x4240];
	_ =	sdelay $0x7  }
0x209: {  	[tilespmem:v2+s11+$0x0] =	vst.idx.add.f32.msk $0xffff, v1  }
0x20a: {  	v2 =	vld [tilespmem:s9+$0x4250];
	_ =	sdelay $0x7  }
0x20b: {  	[tilespmem:v2+s11+$0x0] =	vst.idx.add.f32.msk $0xffff, v1  }
0x20c: {  	v2 =	vld [tilespmem:s9+$0x4260];
	_ =	sdelay $0x7  }
0x20d: {  	[tilespmem:v2+s11+$0x0] =	vst.idx.add.f32.msk $0xffff, v1  }
0x20e: {  	v2 =	vld [tilespmem:s9+$0x4270];
	_ =	sdelay $0x2  }
0x20f: {  	p0 =	sne.s32 s10, $0xF000  }
.Ltmp24:
0x210: {  	_ = 	snop;
	(pc) =	sbr.rel @p0 .LBB2_50-.Ltmp24, $2  }
0x211: {  	_ =	sdelay $0x2  }
0x212: {  	s10 =	sadd.s32 $0x1000, s10;
	s9 =	simm.s32 $0x0;
	[tilespmem:v2+s11+$0x0] =	vst.idx.add.f32.msk $0xffff, v1  }
0x213: {  	v2 =	vld [tilespmem:s11+$0x0];
	_ =	sdelay $0x2  }
0x214: {  	s10 =	sand.u32 $0x70, s9;
	s12 =	sand.u32 $0x400, s9  }
0x215: {  	s10 =	sor.u32 s10, s12  }
0x216: {  	[tilespmem:s10+$0x8B00] =	vst v2  }
0x217: {  	s10 =	simm.s32 $0x8010;
	[tilespmem:s11+$0x0] =	vst v0  }
0x218: {  	v2 =	vld [tilespmem:s10+$0x0]  }
0x219: {  	s13 =	simm.s32 $0x20;
	s12 =	simm.s32 $0x0;
	s11 =	simm.s32 $0x10  }
.LBB2_52:
0x21a: {  	p0 =	sne.s32 s13, $0xF0;
	s12 =	sadd.s32 $0x80, s12  }
0x21b: {  	s14 =	sand.u32 $0x70, s11;
	s11 =	smov.u32 s13;
	s15 =	sand.u32 $0x400, s12  }
.Ltmp25:
0x21c: {  	s14 =	sor.u32 s14, s15;
	(pc) =	sbr.rel @p0 .LBB2_52-.Ltmp25, $4  }
0x21d: {  	[tilespmem:s14+$0x8B00] =	vst v2  }
0x21e: {  	[tilespmem:s10+$0x0] =	vst v0;
	s10 =	sadd.s32 $0x10, s10  }
0x21f: {  	v2 =	vld [tilespmem:s10+$0x0]  }
0x220: {  	s13 =	sadd.s32 $0x10, s13  }
0x221: {  	s12 =	sadd.s32 $0x80, s12  }
0x222: {  	s11 =	sand.u32 $0x70, s11;
	s12 =	sand.u32 $0x400, s12  }
0x223: {  	s11 =	sor.u32 s11, s12  }
0x224: {  	[tilespmem:s11+$0x8B00] =	vst v2  }
0x225: {  	[tilespmem:s10+$0x0] =	vst v0  }
.LBB2_54:
0x226: {  	s10 =	sshra.s32 s9, $0x2  }
0x227: {  	v2 =	vld [tilespmem:s10+$0x4280];
	_ =	sdelay $0x6  }
0x228: {  	s11 =	simm.s32 $0x8000  }
0x229: {  	[tilespmem:v2+s11+$0x0] =	vst.idx.add.f32.msk $0xffff, v1  }
0x22a: {  	v2 =	vld [tilespmem:s10+$0x4290];
	_ =	sdelay $0x7  }
0x22b: {  	[tilespmem:v2+s11+$0x0] =	vst.idx.add.f32.msk $0xffff, v1  }
0x22c: {  	v2 =	vld [tilespmem:s10+$0x42A0];
	_ =	sdelay $0x7  }
0x22d: {  	[tilespmem:v2+s11+$0x0] =	vst.idx.add.f32.msk $0xffff, v1  }
0x22e: {  	v2 =	vld [tilespmem:s10+$0x42B0];
	_ =	sdelay $0x7  }
0x22f: {  	[tilespmem:v2+s11+$0x0] =	vst.idx.add.f32.msk $0xffff, v1  }
0x230: {  	v2 =	vld [tilespmem:s10+$0x42C0];
	_ =	sdelay $0x7  }
0x231: {  	[tilespmem:v2+s11+$0x0] =	vst.idx.add.f32.msk $0xffff, v1  }
0x232: {  	v2 =	vld [tilespmem:s10+$0x42D0];
	_ =	sdelay $0x7  }
0x233: {  	[tilespmem:v2+s11+$0x0] =	vst.idx.add.f32.msk $0xffff, v1  }
0x234: {  	v2 =	vld [tilespmem:s10+$0x42E0];
	_ =	sdelay $0x7  }
0x235: {  	[tilespmem:v2+s11+$0x0] =	vst.idx.add.f32.msk $0xffff, v1  }
0x236: {  	v2 =	vld [tilespmem:s10+$0x42F0];
	_ =	sdelay $0x2  }
0x237: {  	p0 =	sne.s32 s9, $0xF000  }
.Ltmp26:
0x238: {  	_ = 	snop;
	(pc) =	sbr.rel @p0 .LBB2_54-.Ltmp26, $2  }
0x239: {  	_ =	sdelay $0x2  }
0x23a: {  	s9 =	sadd.s32 $0x1000, s9;
	s10 =	simm.s32 $0x0;
	[tilespmem:v2+s11+$0x0] =	vst.idx.add.f32.msk $0xffff, v1  }
0x23b: {  	v2 =	vld [tilespmem:s11+$0x0];
	_ =	sdelay $0x2  }
0x23c: {  	s9 =	sand.u32 $0x70, s10;
	s12 =	sand.u32 $0x400, s10  }
0x23d: {  	s9 =	sor.u32 s9, s12  }
0x23e: {  	[tilespmem:s9+$0x8B80] =	vst v2  }
0x23f: {  	s9 =	simm.s32 $0x8010;
	[tilespmem:s11+$0x0] =	vst v0  }
0x240: {  	v2 =	vld [tilespmem:s9+$0x0]  }
0x241: {  	s13 =	simm.s32 $0x20;
	s12 =	simm.s32 $0x0;
	s11 =	simm.s32 $0x10  }
.LBB2_56:
0x242: {  	p0 =	sne.s32 s13, $0xF0;
	s12 =	sadd.s32 $0x80, s12  }
0x243: {  	s14 =	sand.u32 $0x70, s11;
	s11 =	smov.u32 s13;
	s15 =	sand.u32 $0x400, s12  }
.Ltmp27:
0x244: {  	s14 =	sor.u32 s14, s15;
	(pc) =	sbr.rel @p0 .LBB2_56-.Ltmp27, $4  }
0x245: {  	[tilespmem:s14+$0x8B80] =	vst v2  }
0x246: {  	[tilespmem:s9+$0x0] =	vst v0;
	s9 =	sadd.s32 $0x10, s9  }
0x247: {  	v2 =	vld [tilespmem:s9+$0x0]  }
0x248: {  	s13 =	sadd.s32 $0x10, s13  }
0x249: {  	s12 =	sadd.s32 $0x80, s12  }
0x24a: {  	s11 =	sand.u32 $0x70, s11;
	s12 =	sand.u32 $0x400, s12  }
0x24b: {  	s11 =	sor.u32 s11, s12  }
0x24c: {  	[tilespmem:s11+$0x8B80] =	vst v2  }
0x24d: {  	[tilespmem:s9+$0x0] =	vst v0  }
.LBB2_58:
0x24e: {  	s9 =	sshra.s32 s10, $0x2  }
0x24f: {  	v2 =	vld [tilespmem:s9+$0x4300];
	_ =	sdelay $0x6  }
0x250: {  	s11 =	simm.s32 $0x8000  }
0x251: {  	[tilespmem:v2+s11+$0x0] =	vst.idx.add.f32.msk $0xffff, v1  }
0x252: {  	v2 =	vld [tilespmem:s9+$0x4310];
	_ =	sdelay $0x7  }
0x253: {  	[tilespmem:v2+s11+$0x0] =	vst.idx.add.f32.msk $0xffff, v1  }
0x254: {  	v2 =	vld [tilespmem:s9+$0x4320];
	_ =	sdelay $0x7  }
0x255: {  	[tilespmem:v2+s11+$0x0] =	vst.idx.add.f32.msk $0xffff, v1  }
0x256: {  	v2 =	vld [tilespmem:s9+$0x4330];
	_ =	sdelay $0x7  }
0x257: {  	[tilespmem:v2+s11+$0x0] =	vst.idx.add.f32.msk $0xffff, v1  }
0x258: {  	v2 =	vld [tilespmem:s9+$0x4340];
	_ =	sdelay $0x7  }
0x259: {  	[tilespmem:v2+s11+$0x0] =	vst.idx.add.f32.msk $0xffff, v1  }
0x25a: {  	v2 =	vld [tilespmem:s9+$0x4350];
	_ =	sdelay $0x7  }
0x25b: {  	[tilespmem:v2+s11+$0x0] =	vst.idx.add.f32.msk $0xffff, v1  }
0x25c: {  	v2 =	vld [tilespmem:s9+$0x4360];
	_ =	sdelay $0x7  }
0x25d: {  	[tilespmem:v2+s11+$0x0] =	vst.idx.add.f32.msk $0xffff, v1  }
0x25e: {  	v2 =	vld [tilespmem:s9+$0x4370];
	_ =	sdelay $0x2  }
0x25f: {  	p0 =	sne.s32 s10, $0xF000  }
.Ltmp28:
0x260: {  	_ = 	snop;
	(pc) =	sbr.rel @p0 .LBB2_58-.Ltmp28, $2  }
0x261: {  	_ =	sdelay $0x2  }
0x262: {  	s10 =	sadd.s32 $0x1000, s10;
	s9 =	simm.s32 $0x0;
	[tilespmem:v2+s11+$0x0] =	vst.idx.add.f32.msk $0xffff, v1  }
0x263: {  	v2 =	vld [tilespmem:s11+$0x0];
	_ =	sdelay $0x2  }
0x264: {  	s10 =	sand.u32 $0x70, s9;
	s12 =	sand.u32 $0x400, s9  }
0x265: {  	s10 =	sor.u32 s10, s12  }
0x266: {  	[tilespmem:s10+$0x8C00] =	vst v2  }
0x267: {  	s10 =	simm.s32 $0x8010;
	[tilespmem:s11+$0x0] =	vst v0  }
0x268: {  	v2 =	vld [tilespmem:s10+$0x0]  }
0x269: {  	s13 =	simm.s32 $0x20;
	s12 =	simm.s32 $0x0;
	s11 =	simm.s32 $0x10  }
.LBB2_60:
0x26a: {  	p0 =	sne.s32 s13, $0xF0;
	s12 =	sadd.s32 $0x80, s12  }
0x26b: {  	s14 =	sand.u32 $0x70, s11;
	s11 =	smov.u32 s13;
	s15 =	sand.u32 $0x400, s12  }
.Ltmp29:
0x26c: {  	s14 =	sor.u32 s14, s15;
	(pc) =	sbr.rel @p0 .LBB2_60-.Ltmp29, $4  }
0x26d: {  	[tilespmem:s14+$0x8C00] =	vst v2  }
0x26e: {  	[tilespmem:s10+$0x0] =	vst v0;
	s10 =	sadd.s32 $0x10, s10  }
0x26f: {  	v2 =	vld [tilespmem:s10+$0x0]  }
0x270: {  	s13 =	sadd.s32 $0x10, s13  }
0x271: {  	s12 =	sadd.s32 $0x80, s12  }
0x272: {  	s11 =	sand.u32 $0x70, s11;
	s12 =	sand.u32 $0x400, s12  }
0x273: {  	s11 =	sor.u32 s11, s12  }
0x274: {  	[tilespmem:s11+$0x8C00] =	vst v2  }
0x275: {  	[tilespmem:s10+$0x0] =	vst v0  }
.LBB2_62:
0x276: {  	s11 =	sshra.s32 s9, $0x2  }
0x277: {  	v2 =	vld [tilespmem:s11+$0x4380];
	_ =	sdelay $0x6  }
0x278: {  	s10 =	simm.s32 $0x8000  }
0x279: {  	[tilespmem:v2+s10+$0x0] =	vst.idx.add.f32.msk $0xffff, v1  }
0x27a: {  	v2 =	vld [tilespmem:s11+$0x4390];
	_ =	sdelay $0x7  }
0x27b: {  	[tilespmem:v2+s10+$0x0] =	vst.idx.add.f32.msk $0xffff, v1  }
0x27c: {  	v2 =	vld [tilespmem:s11+$0x43A0];
	_ =	sdelay $0x7  }
0x27d: {  	[tilespmem:v2+s10+$0x0] =	vst.idx.add.f32.msk $0xffff, v1  }
0x27e: {  	v2 =	vld [tilespmem:s11+$0x43B0];
	_ =	sdelay $0x7  }
0x27f: {  	[tilespmem:v2+s10+$0x0] =	vst.idx.add.f32.msk $0xffff, v1  }
0x280: {  	v2 =	vld [tilespmem:s11+$0x43C0];
	_ =	sdelay $0x7  }
0x281: {  	[tilespmem:v2+s10+$0x0] =	vst.idx.add.f32.msk $0xffff, v1  }
0x282: {  	v2 =	vld [tilespmem:s11+$0x43D0];
	_ =	sdelay $0x7  }
0x283: {  	[tilespmem:v2+s10+$0x0] =	vst.idx.add.f32.msk $0xffff, v1  }
0x284: {  	v2 =	vld [tilespmem:s11+$0x43E0];
	_ =	sdelay $0x7  }
0x285: {  	[tilespmem:v2+s10+$0x0] =	vst.idx.add.f32.msk $0xffff, v1  }
0x286: {  	v2 =	vld [tilespmem:s11+$0x43F0];
	_ =	sdelay $0x2  }
0x287: {  	p0 =	sne.s32 s9, $0xF000  }
.Ltmp30:
0x288: {  	_ = 	snop;
	(pc) =	sbr.rel @p0 .LBB2_62-.Ltmp30, $2  }
0x289: {  	_ =	sdelay $0x2  }
0x28a: {  	s9 =	sadd.s32 $0x1000, s9;
	[tilespmem:v2+s10+$0x0] =	vst.idx.add.f32.msk $0xffff, v1  }
0x28b: {  	v2 =	vld [tilespmem:s10+$0x0];
	_ =	sdelay $0x1  }
0x28c: {  	s9 =	simm.s32 $0x0  }
0x28d: {  	s11 =	sand.u32 $0x70, s9;
	s12 =	sand.u32 $0x400, s9  }
0x28e: {  	s11 =	sor.u32 s11, s12  }
0x28f: {  	[tilespmem:s11+$0x8C80] =	vst v2  }
0x290: {  	[tilespmem:s10+$0x0] =	vst v0;
	s10 =	simm.s32 $0x8010  }
0x291: {  	v2 =	vld [tilespmem:s10+$0x0]  }
0x292: {  	s12 =	simm.s32 $0x20;
	s11 =	simm.s32 $0x10  }
.LBB2_64:
0x293: {  	p0 =	sne.s32 s12, $0xF0;
	s9 =	sadd.s32 $0x80, s9  }
0x294: {  	s13 =	sand.u32 $0x70, s11;
	s11 =	smov.u32 s12;
	s14 =	sand.u32 $0x400, s9  }
.Ltmp31:
0x295: {  	s13 =	sor.u32 s13, s14;
	(pc) =	sbr.rel @p0 .LBB2_64-.Ltmp31, $4  }
0x296: {  	[tilespmem:s13+$0x8C80] =	vst v2  }
0x297: {  	[tilespmem:s10+$0x0] =	vst v0;
	s10 =	sadd.s32 $0x10, s10  }
0x298: {  	v2 =	vld [tilespmem:s10+$0x0]  }
0x299: {  	s12 =	sadd.s32 $0x10, s12  }
0x29a: {  	s9 =	sadd.s32 $0x80, s9  }
0x29b: {  	s11 =	sand.u32 $0x70, s11;
	s9 =	sand.u32 $0x400, s9  }
0x29c: {  	s8 =	sadd.s32 $0x1, s8;
	s9 =	sor.u32 s11, s9  }
0x29d: {  	p0 =	sne.s32 s8, s5;
	[tilespmem:s9+$0x8C80] =	vst v2  }
.Ltmp32:
0x29e: {  	[tilespmem:s10+$0x0] =	vst v0;
	(pc) =	sbr.rel @p0 .LBB2_1-.Ltmp32, $4  }
0x29f: {  	[hbm4b:s4+s2] =	stream.linear.scatter [tilespmem:s7], [sflag:$0x1], $0x1000, $0x38;
	[tilespmem:$0x9100] =	vst v63  }
0x2a0: {  	_ =	swait.ge [sflag:s6], $0x1000  }
0x2a1: {  	[sflag:s6] =	ssyncset.done $0x0  }
0x2a2: {  	[sflag:s6] =	ssyncadd.s32 $0xFFFFF000  }
0x2a3: {  	_ =	sfence.sel $0x180000  }
0x2a4: {  	[bflag:$0x0] =	sbarrier.arrive $0xFFFF  }
0x2a5: {  	p0 =	sne.s32 s1, $0x0;
	_ =	strace $0x90000047  }
0x2a6: {  	s0 =	sadd.s32 @!p0 $0x100000, s0;
	[bflag:$0x2] =	sbarrier.arrive $0xFFFF  }
0x2a7: {  	[sflag:s0] =	ssyncadd.tile.s32 @!p0 $0x1;
	_ =	shalt  }
.Lfunc_end2:
_tile_overlayer_lowered:
.L_overlay_start_2:
0x2a8: {  	(tag) =	ssettag $0x2  }
0x2a9: {  	s0 =	rddreg [dreg:$0x0];
	s2 =	stileid.u32  }
0x2aa: {  	s1 =	rddreg [dreg:$0x1];
	p0 =	sne.s32 s2, $0x0  }
0x2ab: {  	s3 =	rddreg [dreg:$0x2];
	[bflag:$0x3] =	sbarrier.arrive $0xFFFF;
	s2 =	simm.s32 @!p0 $0x1C01  }
0x2ac: {  	[timem:s3], [sflag:s2] =	dma.local @!p0 [hbm:s0], s1  }
0x2ad: {  	s0 =	simm.s32 @!p0 $0x1  }
0x2ae: {  	_ =	swait.ge @!p0 [sflag:s0], s1  }
0x2af: {  	s1 =	ssub.s32 @!p0 $0x0, s1;
	[sflag:s0] =	ssyncset.done @!p0 $0x0  }
0x2b0: {  	[sflag:s0] =	ssyncadd.s32 @!p0 s1  }
0x2b1: {  	[bflag:$0x3] =	sbarrier.arrive $0xFFFF  }
0x2b2: {  	_ =	shalt  }

</sc_bundles>
